<compile_context>
chip_gen: v7x
topology: tpu7x:2x2x1
jax: 0.10.2.dev20260603
libtpu: 0.0.44.dev20260713+nightly
codegen_flags: <defaults>
</compile_context>

<pallas_src>
import functools

import jax
import jax.numpy as jnp
from jax import lax
from jax.experimental import pallas as pl
from jax.experimental.pallas import tpu as pltpu
from jax.experimental.pallas import tpu_sc as plsc

B = 16384
F = 26
FIELD = 38462
OFFS = [f * FIELD for f in range(F)]
NC = 2
NS = 16
NW = NC * NS
BPW = B // NW
IPW = BPW * F
CHUNKS = BPW // 16
HF = F // 2
HI = HF * BPW
WPAD = 1000448


def _build_body(xt_hbm, idx_hbm, xv, idxv, semo):
    wid = lax.axis_index("s") * NC + lax.axis_index("c")
    base = wid * BPW

    pltpu.sync_copy(xt_hbm.at[:, pl.ds(base, BPW)], xv)

    def build_half(h):
        def bh(c, _):
            s = c * 16
            for f in range(h * HF, (h + 1) * HF):
                idxv[pl.ds(f * BPW + s, 16)] = (
                    xv[f, pl.ds(s, 16)] + OFFS[f])
            return _
        lax.fori_loop(0, CHUNKS, bh, None)

    build_half(0)
    pltpu.async_copy(
        idxv.at[pl.ds(0, HI)], idx_hbm.at[pl.ds(wid * IPW, HI)], semo)
    build_half(1)
    pltpu.async_copy(
        idxv.at[pl.ds(HI, HI)], idx_hbm.at[pl.ds(wid * IPW + HI, HI)], semo)
    pltpu.make_async_copy(
        idxv, idx_hbm.at[pl.ds(wid * IPW, IPW)], semo).wait()


def _gather_body(idx_hbm, wf_hbm, bias_hbm, out_hbm,
                 idxv, vals, outv, bv, sem0, sem1):
    wid = lax.axis_index("s") * NC + lax.axis_index("c")
    base = wid * BPW
    sems = (sem0, sem1)

    bv[pl.ds(0, 16)] = jnp.zeros((16,), jnp.float32)
    pltpu.sync_copy(idx_hbm.at[pl.ds(wid * IPW, IPW)], idxv)
    pltpu.sync_copy(bias_hbm, bv.at[pl.ds(0, 1)])
    bias_v = jnp.broadcast_to(jnp.sum(bv[pl.ds(0, 16)]), (16,))

    def fire_half(h, sem):
        pltpu.async_copy(
            wf_hbm.at[idxv.at[pl.ds(h * HI, HI)]],
            vals.at[pl.ds(h * HI, HI)],
            sem)

    def drain_half(h, sem):
        pltpu.make_async_copy(
            wf_hbm.at[pl.ds(0, HI)],
            vals.at[pl.ds(h * HI, HI)],
            sem).wait()

    fire_half(0, sems[0])
    fire_half(1, sems[1])

    drain_half(0, sems[0])

    def acc0(c, _):
        s = c * 16
        acc = bias_v
        for f in range(HF):
            acc = acc + vals[pl.ds(f * BPW + s, 16)]
        outv[pl.ds(s, 16)] = acc
        return _
    lax.fori_loop(0, CHUNKS, acc0, None)

    drain_half(1, sems[1])

    def acc1(c, _):
        s = c * 16
        acc = outv[pl.ds(s, 16)]
        for f in range(HF, F):
            acc = acc + vals[pl.ds(f * BPW + s, 16)]
        outv[pl.ds(s, 16)] = 1.0 / (1.0 + jnp.exp(-acc))
        return _
    lax.fori_loop(0, CHUNKS, acc1, None)

    pltpu.sync_copy(outv, out_hbm.at[pl.ds(base, BPW)])


def kernel(x, W, bias):
    xt = x.astype(jnp.int32).T
    wf = jnp.pad(W, ((0, WPAD - W.shape[0]), (0, 0))).reshape(-1)

    mesh = plsc.VectorSubcoreMesh(core_axis_name="c", subcore_axis_name="s")

    build = functools.partial(
        pl.kernel,
        mesh=mesh,
        out_type=jax.ShapeDtypeStruct((B * F,), jnp.int32),
        scratch_types=[
            pltpu.VMEM((F, BPW), jnp.int32),
            pltpu.VMEM((IPW,), jnp.int32),
            pltpu.SemaphoreType.DMA,
        ],
    )(_build_body)

    gather = functools.partial(
        pl.kernel,
        mesh=mesh,
        out_type=jax.ShapeDtypeStruct((B,), jnp.float32),
        compiler_params=pltpu.CompilerParams(needs_layout_passes=False),
        scratch_types=[
            pltpu.VMEM((IPW,), jnp.int32),
            pltpu.VMEM((IPW,), jnp.float32),
            pltpu.VMEM((BPW,), jnp.float32),
            pltpu.VMEM((16,), jnp.float32),
            pltpu.SemaphoreType.DMA,
            pltpu.SemaphoreType.DMA,
        ],
    )(_gather_body)

    return gather(build(xt), wf, bias.astype(jnp.float32))

# --- scband reference (transcript-rebuilt; emitter-appended) ---
"""Pipeline reference for scband-logistic-regression-82411832476247 (READ-ONLY COPY).

The authoritative reference and input builder live on the scoring server;
editing this copy changes nothing except your own understanding.
"""

import jax, jax.numpy as jnp
import numpy as np

FEATURE_FIELDS = [38462] * 26
NUM_ROWS = sum(FEATURE_FIELDS) + 1
B = 16384
F = 26


def setup_inputs(seed: int = 0) -> dict:
    key = jax.random.key(seed)
    k1, k2 = jax.random.split(key, 2)
    x = jax.random.randint(k1, (B, F), 0, FEATURE_FIELDS[0], dtype=jnp.int32)
    W = jax.random.normal(k2, (NUM_ROWS, 1), dtype=jnp.float32) * 0.01
    bias = jnp.zeros((1,), dtype=jnp.float32)
    return {"x": x, "W": W, "bias": bias}


def reference(x, W, bias):
    offset = jnp.asarray(np.array((0, *np.cumsum(FEATURE_FIELDS)[:-1]), dtype=np.int64), dtype=x.dtype)
    idx = x + offset[None, :]
    emb = jnp.take(W, idx, axis=0)  # [B, F, 1]
    out = jnp.sum(emb, axis=1) + bias  # [B, 1]
    return jax.nn.sigmoid(out.squeeze(1))  # [B]

if __name__ == "__main__":
    import jax
    _d = setup_inputs()
    print(jax.jit(kernel)(*tuple(_d.values())))

</pallas_src>

<mosaic_0001>
#map = affine_map<(d0, d1) -> (0, 0)>
#map1 = affine_map<(d0, d1) -> (0)>
module attributes {stable_mosaic.version = 14 : i64} {
  func.func @_build_body(%arg0: i32, %arg1: i32, %arg2: memref<26x16384xi32, #tpu.memory_space<hbm>>, %arg3: memref<425984xi32, #tpu.memory_space<hbm>>, %arg4: memref<26x512xi32, #tpu.memory_space<vmem>>, %arg5: memref<13312xi32, #tpu.memory_space<vmem>>, %arg6: memref<!tpu.dma_semaphore, #tpu.memory_space<semaphore_mem>>) attributes {dimension_semantics = [#tpu.dimension_semantics<core_parallel>, #tpu.dimension_semantics<subcore_parallel>], iteration_bounds = array<i64: 2, 16>, scalar_prefetch = 0 : i64, scratch_operands = 3 : i64, tpu.core_type = #tpu.core_type<sc_vector_subcore>, window_params = [{transform_indices = #map}, {transform_indices = #map1}]} {
    %mul3A = arith.constant 2 : i32
    %mul3A_0 = arith.muli %arg1, %mul3A : i32
    %add3A = arith.addi %mul3A_0, %arg0 : i32
    %mul3A_1 = arith.constant 512 : i32
    %mul3A_2 = arith.muli %add3A, %mul3A_1 : i32
    "tpu.region"() ({
      %run_scoped3A = tpu.sem_alloc : memref<!tpu.dma_semaphore, #tpu.memory_space<semaphore_mem>>
      %dma_start3A_32 = arith.constant 0 : i32
      %dma_start3A_33 = tpu.memref_slice %arg2[%dma_start3A_32, %mul3A_2] : memref<26x16384xi32, #tpu.memory_space<hbm>> -> memref<26x512xi32, #tpu.memory_space<hbm>>
      %dma_start3A_34 = arith.constant 0 : i32
      %dma_start3A_35 = tpu.memref_slice %arg2[%dma_start3A_34, %mul3A_2] : memref<26x16384xi32, #tpu.memory_space<hbm>> -> memref<26x512xi32, #tpu.memory_space<hbm>>
      tpu.enqueue_dma source(%dma_start3A_35 : memref<26x512xi32, #tpu.memory_space<hbm>>) target(%arg4 : memref<26x512xi32, #tpu.memory_space<vmem>>) target_semaphore(%run_scoped3A : memref<!tpu.dma_semaphore, #tpu.memory_space<semaphore_mem>>)
      %dma_wait3A_36 = arith.constant 0 : i32
      %dma_wait3A_37 = tpu.memref_slice %arg2[%dma_wait3A_36, %mul3A_2] : memref<26x16384xi32, #tpu.memory_space<hbm>> -> memref<26x512xi32, #tpu.memory_space<hbm>>
      %dma_wait3A_38 = arith.constant 0 : i32
      %dma_wait3A_39 = tpu.memref_slice %arg2[%dma_wait3A_38, %mul3A_2] : memref<26x16384xi32, #tpu.memory_space<hbm>> -> memref<26x512xi32, #tpu.memory_space<hbm>>
      tpu.wait_dma2 semaphore(%run_scoped3A : memref<!tpu.dma_semaphore, #tpu.memory_space<semaphore_mem>>) src(%dma_wait3A_39 : memref<26x512xi32, #tpu.memory_space<hbm>>) dst(%arg4 : memref<26x512xi32, #tpu.memory_space<vmem>>)
      tpu.yield
    }) : () -> ()
    %scan3A = arith.constant 0 : i32
    %scan3A_3 = arith.constant 32 : i32
    %scan3A_4 = arith.addi %scan3A, %scan3A_3 : i32
    %scan3A_5 = arith.constant 1 : i32
    scf.for %scan3A_32 = %scan3A to %scan3A_4 step %scan3A_5  : i32 {
      %mul3A_33 = arith.constant 16 : i32
      %mul3A_34 = arith.muli %scan3A_32, %mul3A_33 : i32
      %get3A = arith.constant 0 : i32
      %get3A_35 = arith.index_cast %get3A : i32 to index
      %get3A_36 = arith.index_cast %mul3A_34 : i32 to index
      %get3A_37 = tpu.vector_load %arg4[%get3A_35, %get3A_36] {strides = array<i32>} : memref<26x512xi32, #tpu.memory_space<vmem>>, vector<1x16xi32>,
      %get3A_38 = vector.shape_cast %get3A_37 : vector<1x16xi32> to vector<16xi32>
      %add3A_39 = arith.constant 0 : i32
      %add3A_40 = vector.broadcast %add3A_39 : i32 to vector<16xi32>
      %add3A_41 = arith.addi %get3A_38, %add3A_40 : vector<16xi32>
      %add3A_42 = arith.constant 0 : i32
      %add3A_43 = arith.addi %add3A_42, %mul3A_34 : i32
      %swap3A = arith.index_cast %add3A_43 : i32 to index
      %swap3A_44 = tpu.vector_load %arg5[%swap3A] {strides = array<i32>} : memref<13312xi32, #tpu.memory_space<vmem>>, vector<16xi32>,
      %swap3A_45 = vector.shape_cast %swap3A_44 : vector<16xi32> to vector<16xi32>
      %swap3A_46 = vector.shape_cast %add3A_41 : vector<16xi32> to vector<16xi32>
      tpu.vector_store %arg5[%swap3A], %swap3A_46 {strides = array<i32>} : memref<13312xi32, #tpu.memory_space<vmem>>, vector<16xi32>,
      %get3A_47 = arith.constant 1 : i32
      %get3A_48 = arith.index_cast %get3A_47 : i32 to index
      %get3A_49 = arith.index_cast %mul3A_34 : i32 to index
      %get3A_50 = tpu.vector_load %arg4[%get3A_48, %get3A_49] {strides = array<i32>} : memref<26x512xi32, #tpu.memory_space<vmem>>, vector<1x16xi32>,
      %get3A_51 = vector.shape_cast %get3A_50 : vector<1x16xi32> to vector<16xi32>
      %add3A_52 = arith.constant 38462 : i32
      %add3A_53 = vector.broadcast %add3A_52 : i32 to vector<16xi32>
      %add3A_54 = arith.addi %get3A_51, %add3A_53 : vector<16xi32>
      %add3A_55 = arith.constant 512 : i32
      %add3A_56 = arith.addi %add3A_55, %mul3A_34 : i32
      %swap3A_57 = arith.index_cast %add3A_56 : i32 to index
      %swap3A_58 = tpu.vector_load %arg5[%swap3A_57] {strides = array<i32>} : memref<13312xi32, #tpu.memory_space<vmem>>, vector<16xi32>,
      %swap3A_59 = vector.shape_cast %swap3A_58 : vector<16xi32> to vector<16xi32>
      %swap3A_60 = vector.shape_cast %add3A_54 : vector<16xi32> to vector<16xi32>
      tpu.vector_store %arg5[%swap3A_57], %swap3A_60 {strides = array<i32>} : memref<13312xi32, #tpu.memory_space<vmem>>, vector<16xi32>,
      %get3A_61 = arith.constant 2 : i32
      %get3A_62 = arith.index_cast %get3A_61 : i32 to index
      %get3A_63 = arith.index_cast %mul3A_34 : i32 to index
      %get3A_64 = tpu.vector_load %arg4[%get3A_62, %get3A_63] {strides = array<i32>} : memref<26x512xi32, #tpu.memory_space<vmem>>, vector<1x16xi32>,
      %get3A_65 = vector.shape_cast %get3A_64 : vector<1x16xi32> to vector<16xi32>
      %add3A_66 = arith.constant 76924 : i32
      %add3A_67 = vector.broadcast %add3A_66 : i32 to vector<16xi32>
      %add3A_68 = arith.addi %get3A_65, %add3A_67 : vector<16xi32>
      %add3A_69 = arith.constant 1024 : i32
      %add3A_70 = arith.addi %add3A_69, %mul3A_34 : i32
      %swap3A_71 = arith.index_cast %add3A_70 : i32 to index
      %swap3A_72 = tpu.vector_load %arg5[%swap3A_71] {strides = array<i32>} : memref<13312xi32, #tpu.memory_space<vmem>>, vector<16xi32>,
      %swap3A_73 = vector.shape_cast %swap3A_72 : vector<16xi32> to vector<16xi32>
      %swap3A_74 = vector.shape_cast %add3A_68 : vector<16xi32> to vector<16xi32>
      tpu.vector_store %arg5[%swap3A_71], %swap3A_74 {strides = array<i32>} : memref<13312xi32, #tpu.memory_space<vmem>>, vector<16xi32>,
      %get3A_75 = arith.constant 3 : i32
      %get3A_76 = arith.index_cast %get3A_75 : i32 to index
      %get3A_77 = arith.index_cast %mul3A_34 : i32 to index
      %get3A_78 = tpu.vector_load %arg4[%get3A_76, %get3A_77] {strides = array<i32>} : memref<26x512xi32, #tpu.memory_space<vmem>>, vector<1x16xi32>,
      %get3A_79 = vector.shape_cast %get3A_78 : vector<1x16xi32> to vector<16xi32>
      %add3A_80 = arith.constant 115386 : i32
      %add3A_81 = vector.broadcast %add3A_80 : i32 to vector<16xi32>
      %add3A_82 = arith.addi %get3A_79, %add3A_81 : vector<16xi32>
      %add3A_83 = arith.constant 1536 : i32
      %add3A_84 = arith.addi %add3A_83, %mul3A_34 : i32
      %swap3A_85 = arith.index_cast %add3A_84 : i32 to index
      %swap3A_86 = tpu.vector_load %arg5[%swap3A_85] {strides = array<i32>} : memref<13312xi32, #tpu.memory_space<vmem>>, vector<16xi32>,
      %swap3A_87 = vector.shape_cast %swap3A_86 : vector<16xi32> to vector<16xi32>
      %swap3A_88 = vector.shape_cast %add3A_82 : vector<16xi32> to vector<16xi32>
      tpu.vector_store %arg5[%swap3A_85], %swap3A_88 {strides = array<i32>} : memref<13312xi32, #tpu.memory_space<vmem>>, vector<16xi32>,
      %get3A_89 = arith.constant 4 : i32
      %get3A_90 = arith.index_cast %get3A_89 : i32 to index
      %get3A_91 = arith.index_cast %mul3A_34 : i32 to index
      %get3A_92 = tpu.vector_load %arg4[%get3A_90, %get3A_91] {strides = array<i32>} : memref<26x512xi32, #tpu.memory_space<vmem>>, vector<1x16xi32>,
      %get3A_93 = vector.shape_cast %get3A_92 : vector<1x16xi32> to vector<16xi32>
      %add3A_94 = arith.constant 153848 : i32
      %add3A_95 = vector.broadcast %add3A_94 : i32 to vector<16xi32>
      %add3A_96 = arith.addi %get3A_93, %add3A_95 : vector<16xi32>
      %add3A_97 = arith.constant 2048 : i32
      %add3A_98 = arith.addi %add3A_97, %mul3A_34 : i32
      %swap3A_99 = arith.index_cast %add3A_98 : i32 to index
      %swap3A_100 = tpu.vector_load %arg5[%swap3A_99] {strides = array<i32>} : memref<13312xi32, #tpu.memory_space<vmem>>, vector<16xi32>,
      %swap3A_101 = vector.shape_cast %swap3A_100 : vector<16xi32> to vector<16xi32>
      %swap3A_102 = vector.shape_cast %add3A_96 : vector<16xi32> to vector<16xi32>
      tpu.vector_store %arg5[%swap3A_99], %swap3A_102 {strides = array<i32>} : memref<13312xi32, #tpu.memory_space<vmem>>, vector<16xi32>,
      %get3A_103 = arith.constant 5 : i32
      %get3A_104 = arith.index_cast %get3A_103 : i32 to index
      %get3A_105 = arith.index_cast %mul3A_34 : i32 to index
      %get3A_106 = tpu.vector_load %arg4[%get3A_104, %get3A_105] {strides = array<i32>} : memref<26x512xi32, #tpu.memory_space<vmem>>, vector<1x16xi32>,
      %get3A_107 = vector.shape_cast %get3A_106 : vector<1x16xi32> to vector<16xi32>
      %add3A_108 = arith.constant 192310 : i32
      %add3A_109 = vector.broadcast %add3A_108 : i32 to vector<16xi32>
      %add3A_110 = arith.addi %get3A_107, %add3A_109 : vector<16xi32>
      %add3A_111 = arith.constant 2560 : i32
      %add3A_112 = arith.addi %add3A_111, %mul3A_34 : i32
      %swap3A_113 = arith.index_cast %add3A_112 : i32 to index
      %swap3A_114 = tpu.vector_load %arg5[%swap3A_113] {strides = array<i32>} : memref<13312xi32, #tpu.memory_space<vmem>>, vector<16xi32>,
      %swap3A_115 = vector.shape_cast %swap3A_114 : vector<16xi32> to vector<16xi32>
      %swap3A_116 = vector.shape_cast %add3A_110 : vector<16xi32> to vector<16xi32>
      tpu.vector_store %arg5[%swap3A_113], %swap3A_116 {strides = array<i32>} : memref<13312xi32, #tpu.memory_space<vmem>>, vector<16xi32>,
      %get3A_117 = arith.constant 6 : i32
      %get3A_118 = arith.index_cast %get3A_117 : i32 to index
      %get3A_119 = arith.index_cast %mul3A_34 : i32 to index
      %get3A_120 = tpu.vector_load %arg4[%get3A_118, %get3A_119] {strides = array<i32>} : memref<26x512xi32, #tpu.memory_space<vmem>>, vector<1x16xi32>,
      %get3A_121 = vector.shape_cast %get3A_120 : vector<1x16xi32> to vector<16xi32>
      %add3A_122 = arith.constant 230772 : i32
      %add3A_123 = vector.broadcast %add3A_122 : i32 to vector<16xi32>
      %add3A_124 = arith.addi %get3A_121, %add3A_123 : vector<16xi32>
      %add3A_125 = arith.constant 3072 : i32
      %add3A_126 = arith.addi %add3A_125, %mul3A_34 : i32
      %swap3A_127 = arith.index_cast %add3A_126 : i32 to index
      %swap3A_128 = tpu.vector_load %arg5[%swap3A_127] {strides = array<i32>} : memref<13312xi32, #tpu.memory_space<vmem>>, vector<16xi32>,
      %swap3A_129 = vector.shape_cast %swap3A_128 : vector<16xi32> to vector<16xi32>
      %swap3A_130 = vector.shape_cast %add3A_124 : vector<16xi32> to vector<16xi32>
      tpu.vector_store %arg5[%swap3A_127], %swap3A_130 {strides = array<i32>} : memref<13312xi32, #tpu.memory_space<vmem>>, vector<16xi32>,
      %get3A_131 = arith.constant 7 : i32
      %get3A_132 = arith.index_cast %get3A_131 : i32 to index
      %get3A_133 = arith.index_cast %mul3A_34 : i32 to index
      %get3A_134 = tpu.vector_load %arg4[%get3A_132, %get3A_133] {strides = array<i32>} : memref<26x512xi32, #tpu.memory_space<vmem>>, vector<1x16xi32>,
      %get3A_135 = vector.shape_cast %get3A_134 : vector<1x16xi32> to vector<16xi32>
      %add3A_136 = arith.constant 269234 : i32
      %add3A_137 = vector.broadcast %add3A_136 : i32 to vector<16xi32>
      %add3A_138 = arith.addi %get3A_135, %add3A_137 : vector<16xi32>
      %add3A_139 = arith.constant 3584 : i32
      %add3A_140 = arith.addi %add3A_139, %mul3A_34 : i32
      %swap3A_141 = arith.index_cast %add3A_140 : i32 to index
      %swap3A_142 = tpu.vector_load %arg5[%swap3A_141] {strides = array<i32>} : memref<13312xi32, #tpu.memory_space<vmem>>, vector<16xi32>,
      %swap3A_143 = vector.shape_cast %swap3A_142 : vector<16xi32> to vector<16xi32>
      %swap3A_144 = vector.shape_cast %add3A_138 : vector<16xi32> to vector<16xi32>
      tpu.vector_store %arg5[%swap3A_141], %swap3A_144 {strides = array<i32>} : memref<13312xi32, #tpu.memory_space<vmem>>, vector<16xi32>,
      %get3A_145 = arith.constant 8 : i32
      %get3A_146 = arith.index_cast %get3A_145 : i32 to index
      %get3A_147 = arith.index_cast %mul3A_34 : i32 to index
      %get3A_148 = tpu.vector_load %arg4[%get3A_146, %get3A_147] {strides = array<i32>} : memref<26x512xi32, #tpu.memory_space<vmem>>, vector<1x16xi32>,
      %get3A_149 = vector.shape_cast %get3A_148 : vector<1x16xi32> to vector<16xi32>
      %add3A_150 = arith.constant 307696 : i32
      %add3A_151 = vector.broadcast %add3A_150 : i32 to vector<16xi32>
      %add3A_152 = arith.addi %get3A_149, %add3A_151 : vector<16xi32>
      %add3A_153 = arith.constant 4096 : i32
      %add3A_154 = arith.addi %add3A_153, %mul3A_34 : i32
      %swap3A_155 = arith.index_cast %add3A_154 : i32 to index
      %swap3A_156 = tpu.vector_load %arg5[%swap3A_155] {strides = array<i32>} : memref<13312xi32, #tpu.memory_space<vmem>>, vector<16xi32>,
      %swap3A_157 = vector.shape_cast %swap3A_156 : vector<16xi32> to vector<16xi32>
      %swap3A_158 = vector.shape_cast %add3A_152 : vector<16xi32> to vector<16xi32>
      tpu.vector_store %arg5[%swap3A_155], %swap3A_158 {strides = array<i32>} : memref<13312xi32, #tpu.memory_space<vmem>>, vector<16xi32>,
      %get3A_159 = arith.constant 9 : i32
      %get3A_160 = arith.index_cast %get3A_159 : i32 to index
      %get3A_161 = arith.index_cast %mul3A_34 : i32 to index
      %get3A_162 = tpu.vector_load %arg4[%get3A_160, %get3A_161] {strides = array<i32>} : memref<26x512xi32, #tpu.memory_space<vmem>>, vector<1x16xi32>,
      %get3A_163 = vector.shape_cast %get3A_162 : vector<1x16xi32> to vector<16xi32>
      %add3A_164 = arith.constant 346158 : i32
      %add3A_165 = vector.broadcast %add3A_164 : i32 to vector<16xi32>
      %add3A_166 = arith.addi %get3A_163, %add3A_165 : vector<16xi32>
      %add3A_167 = arith.constant 4608 : i32
      %add3A_168 = arith.addi %add3A_167, %mul3A_34 : i32
      %swap3A_169 = arith.index_cast %add3A_168 : i32 to index
      %swap3A_170 = tpu.vector_load %arg5[%swap3A_169] {strides = array<i32>} : memref<13312xi32, #tpu.memory_space<vmem>>, vector<16xi32>,
      %swap3A_171 = vector.shape_cast %swap3A_170 : vector<16xi32> to vector<16xi32>
      %swap3A_172 = vector.shape_cast %add3A_166 : vector<16xi32> to vector<16xi32>
      tpu.vector_store %arg5[%swap3A_169], %swap3A_172 {strides = array<i32>} : memref<13312xi32, #tpu.memory_space<vmem>>, vector<16xi32>,
      %get3A_173 = arith.constant 10 : i32
      %get3A_174 = arith.index_cast %get3A_173 : i32 to index
      %get3A_175 = arith.index_cast %mul3A_34 : i32 to index
      %get3A_176 = tpu.vector_load %arg4[%get3A_174, %get3A_175] {strides = array<i32>} : memref<26x512xi32, #tpu.memory_space<vmem>>, vector<1x16xi32>,
      %get3A_177 = vector.shape_cast %get3A_176 : vector<1x16xi32> to vector<16xi32>
      %add3A_178 = arith.constant 384620 : i32
      %add3A_179 = vector.broadcast %add3A_178 : i32 to vector<16xi32>
      %add3A_180 = arith.addi %get3A_177, %add3A_179 : vector<16xi32>
      %add3A_181 = arith.constant 5120 : i32
      %add3A_182 = arith.addi %add3A_181, %mul3A_34 : i32
      %swap3A_183 = arith.index_cast %add3A_182 : i32 to index
      %swap3A_184 = tpu.vector_load %arg5[%swap3A_183] {strides = array<i32>} : memref<13312xi32, #tpu.memory_space<vmem>>, vector<16xi32>,
      %swap3A_185 = vector.shape_cast %swap3A_184 : vector<16xi32> to vector<16xi32>
      %swap3A_186 = vector.shape_cast %add3A_180 : vector<16xi32> to vector<16xi32>
      tpu.vector_store %arg5[%swap3A_183], %swap3A_186 {strides = array<i32>} : memref<13312xi32, #tpu.memory_space<vmem>>, vector<16xi32>,
      %get3A_187 = arith.constant 11 : i32
      %get3A_188 = arith.index_cast %get3A_187 : i32 to index
      %get3A_189 = arith.index_cast %mul3A_34 : i32 to index
      %get3A_190 = tpu.vector_load %arg4[%get3A_188, %get3A_189] {strides = array<i32>} : memref<26x512xi32, #tpu.memory_space<vmem>>, vector<1x16xi32>,
      %get3A_191 = vector.shape_cast %get3A_190 : vector<1x16xi32> to vector<16xi32>
      %add3A_192 = arith.constant 423082 : i32
      %add3A_193 = vector.broadcast %add3A_192 : i32 to vector<16xi32>
      %add3A_194 = arith.addi %get3A_191, %add3A_193 : vector<16xi32>
      %add3A_195 = arith.constant 5632 : i32
      %add3A_196 = arith.addi %add3A_195, %mul3A_34 : i32
      %swap3A_197 = arith.index_cast %add3A_196 : i32 to index
      %swap3A_198 = tpu.vector_load %arg5[%swap3A_197] {strides = array<i32>} : memref<13312xi32, #tpu.memory_space<vmem>>, vector<16xi32>,
      %swap3A_199 = vector.shape_cast %swap3A_198 : vector<16xi32> to vector<16xi32>
      %swap3A_200 = vector.shape_cast %add3A_194 : vector<16xi32> to vector<16xi32>
      tpu.vector_store %arg5[%swap3A_197], %swap3A_200 {strides = array<i32>} : memref<13312xi32, #tpu.memory_space<vmem>>, vector<16xi32>,
      %get3A_201 = arith.constant 12 : i32
      %get3A_202 = arith.index_cast %get3A_201 : i32 to index
      %get3A_203 = arith.index_cast %mul3A_34 : i32 to index
      %get3A_204 = tpu.vector_load %arg4[%get3A_202, %get3A_203] {strides = array<i32>} : memref<26x512xi32, #tpu.memory_space<vmem>>, vector<1x16xi32>,
      %get3A_205 = vector.shape_cast %get3A_204 : vector<1x16xi32> to vector<16xi32>
      %add3A_206 = arith.constant 461544 : i32
      %add3A_207 = vector.broadcast %add3A_206 : i32 to vector<16xi32>
      %add3A_208 = arith.addi %get3A_205, %add3A_207 : vector<16xi32>
      %add3A_209 = arith.constant 6144 : i32
      %add3A_210 = arith.addi %add3A_209, %mul3A_34 : i32
      %swap3A_211 = arith.index_cast %add3A_210 : i32 to index
      %swap3A_212 = tpu.vector_load %arg5[%swap3A_211] {strides = array<i32>} : memref<13312xi32, #tpu.memory_space<vmem>>, vector<16xi32>,
      %swap3A_213 = vector.shape_cast %swap3A_212 : vector<16xi32> to vector<16xi32>
      %swap3A_214 = vector.shape_cast %add3A_208 : vector<16xi32> to vector<16xi32>
      tpu.vector_store %arg5[%swap3A_211], %swap3A_214 {strides = array<i32>} : memref<13312xi32, #tpu.memory_space<vmem>>, vector<16xi32>,
    }
    %scan3A_6 = arith.constant 32 : i32
    %mul3A_7 = arith.constant 13312 : i32
    %mul3A_8 = arith.muli %add3A, %mul3A_7 : i32
    %dma_start3A = arith.constant 0 : i32
    %dma_start3A_9 = tpu.memref_slice %arg5[%dma_start3A] : memref<13312xi32, #tpu.memory_space<vmem>> -> memref<6656xi32, #tpu.memory_space<vmem>>
    %dma_start3A_10 = tpu.memref_slice %arg3[%mul3A_8] : memref<425984xi32, #tpu.memory_space<hbm>> -> memref<6656xi32, #tpu.memory_space<hbm>>
    %dma_start3A_11 = tpu.memref_slice %arg3[%mul3A_8] : memref<425984xi32, #tpu.memory_space<hbm>> -> memref<6656xi32, #tpu.memory_space<hbm>>
    %dma_start3A_12 = arith.constant 0 : i32
    %dma_start3A_13 = tpu.memref_slice %arg5[%dma_start3A_12] : memref<13312xi32, #tpu.memory_space<vmem>> -> memref<6656xi32, #tpu.memory_space<vmem>>
    tpu.enqueue_dma source(%dma_start3A_13 : memref<6656xi32, #tpu.memory_space<vmem>>) target(%dma_start3A_11 : memref<6656xi32, #tpu.memory_space<hbm>>) target_semaphore(%arg6 : memref<!tpu.dma_semaphore, #tpu.memory_space<semaphore_mem>>)
    %scan3A_14 = arith.constant 0 : i32
    %scan3A_15 = arith.constant 32 : i32
    %scan3A_16 = arith.addi %scan3A_14, %scan3A_15 : i32
    %scan3A_17 = arith.constant 1 : i32
    scf.for %scan3A_32 = %scan3A_14 to %scan3A_16 step %scan3A_17  : i32 {
      %mul3A_33 = arith.constant 16 : i32
      %mul3A_34 = arith.muli %scan3A_32, %mul3A_33 : i32
      %get3A = arith.constant 13 : i32
      %get3A_35 = arith.index_cast %get3A : i32 to index
      %get3A_36 = arith.index_cast %mul3A_34 : i32 to index
      %get3A_37 = tpu.vector_load %arg4[%get3A_35, %get3A_36] {strides = array<i32>} : memref<26x512xi32, #tpu.memory_space<vmem>>, vector<1x16xi32>,
      %get3A_38 = vector.shape_cast %get3A_37 : vector<1x16xi32> to vector<16xi32>
      %add3A_39 = arith.constant 500006 : i32
      %add3A_40 = vector.broadcast %add3A_39 : i32 to vector<16xi32>
      %add3A_41 = arith.addi %get3A_38, %add3A_40 : vector<16xi32>
      %add3A_42 = arith.constant 6656 : i32
      %add3A_43 = arith.addi %add3A_42, %mul3A_34 : i32
      %swap3A = arith.index_cast %add3A_43 : i32 to index
      %swap3A_44 = tpu.vector_load %arg5[%swap3A] {strides = array<i32>} : memref<13312xi32, #tpu.memory_space<vmem>>, vector<16xi32>,
      %swap3A_45 = vector.shape_cast %swap3A_44 : vector<16xi32> to vector<16xi32>
      %swap3A_46 = vector.shape_cast %add3A_41 : vector<16xi32> to vector<16xi32>
      tpu.vector_store %arg5[%swap3A], %swap3A_46 {strides = array<i32>} : memref<13312xi32, #tpu.memory_space<vmem>>, vector<16xi32>,
      %get3A_47 = arith.constant 14 : i32
      %get3A_48 = arith.index_cast %get3A_47 : i32 to index
      %get3A_49 = arith.index_cast %mul3A_34 : i32 to index
      %get3A_50 = tpu.vector_load %arg4[%get3A_48, %get3A_49] {strides = array<i32>} : memref<26x512xi32, #tpu.memory_space<vmem>>, vector<1x16xi32>,
      %get3A_51 = vector.shape_cast %get3A_50 : vector<1x16xi32> to vector<16xi32>
      %add3A_52 = arith.constant 538468 : i32
      %add3A_53 = vector.broadcast %add3A_52 : i32 to vector<16xi32>
      %add3A_54 = arith.addi %get3A_51, %add3A_53 : vector<16xi32>
      %add3A_55 = arith.constant 7168 : i32
      %add3A_56 = arith.addi %add3A_55, %mul3A_34 : i32
      %swap3A_57 = arith.index_cast %add3A_56 : i32 to index
      %swap3A_58 = tpu.vector_load %arg5[%swap3A_57] {strides = array<i32>} : memref<13312xi32, #tpu.memory_space<vmem>>, vector<16xi32>,
      %swap3A_59 = vector.shape_cast %swap3A_58 : vector<16xi32> to vector<16xi32>
      %swap3A_60 = vector.shape_cast %add3A_54 : vector<16xi32> to vector<16xi32>
      tpu.vector_store %arg5[%swap3A_57], %swap3A_60 {strides = array<i32>} : memref<13312xi32, #tpu.memory_space<vmem>>, vector<16xi32>,
      %get3A_61 = arith.constant 15 : i32
      %get3A_62 = arith.index_cast %get3A_61 : i32 to index
      %get3A_63 = arith.index_cast %mul3A_34 : i32 to index
      %get3A_64 = tpu.vector_load %arg4[%get3A_62, %get3A_63] {strides = array<i32>} : memref<26x512xi32, #tpu.memory_space<vmem>>, vector<1x16xi32>,
      %get3A_65 = vector.shape_cast %get3A_64 : vector<1x16xi32> to vector<16xi32>
      %add3A_66 = arith.constant 576930 : i32
      %add3A_67 = vector.broadcast %add3A_66 : i32 to vector<16xi32>
      %add3A_68 = arith.addi %get3A_65, %add3A_67 : vector<16xi32>
      %add3A_69 = arith.constant 7680 : i32
      %add3A_70 = arith.addi %add3A_69, %mul3A_34 : i32
      %swap3A_71 = arith.index_cast %add3A_70 : i32 to index
      %swap3A_72 = tpu.vector_load %arg5[%swap3A_71] {strides = array<i32>} : memref<13312xi32, #tpu.memory_space<vmem>>, vector<16xi32>,
      %swap3A_73 = vector.shape_cast %swap3A_72 : vector<16xi32> to vector<16xi32>
      %swap3A_74 = vector.shape_cast %add3A_68 : vector<16xi32> to vector<16xi32>
      tpu.vector_store %arg5[%swap3A_71], %swap3A_74 {strides = array<i32>} : memref<13312xi32, #tpu.memory_space<vmem>>, vector<16xi32>,
      %get3A_75 = arith.constant 16 : i32
      %get3A_76 = arith.index_cast %get3A_75 : i32 to index
      %get3A_77 = arith.index_cast %mul3A_34 : i32 to index
      %get3A_78 = tpu.vector_load %arg4[%get3A_76, %get3A_77] {strides = array<i32>} : memref<26x512xi32, #tpu.memory_space<vmem>>, vector<1x16xi32>,
      %get3A_79 = vector.shape_cast %get3A_78 : vector<1x16xi32> to vector<16xi32>
      %add3A_80 = arith.constant 615392 : i32
      %add3A_81 = vector.broadcast %add3A_80 : i32 to vector<16xi32>
      %add3A_82 = arith.addi %get3A_79, %add3A_81 : vector<16xi32>
      %add3A_83 = arith.constant 8192 : i32
      %add3A_84 = arith.addi %add3A_83, %mul3A_34 : i32
      %swap3A_85 = arith.index_cast %add3A_84 : i32 to index
      %swap3A_86 = tpu.vector_load %arg5[%swap3A_85] {strides = array<i32>} : memref<13312xi32, #tpu.memory_space<vmem>>, vector<16xi32>,
      %swap3A_87 = vector.shape_cast %swap3A_86 : vector<16xi32> to vector<16xi32>
      %swap3A_88 = vector.shape_cast %add3A_82 : vector<16xi32> to vector<16xi32>
      tpu.vector_store %arg5[%swap3A_85], %swap3A_88 {strides = array<i32>} : memref<13312xi32, #tpu.memory_space<vmem>>, vector<16xi32>,
      %get3A_89 = arith.constant 17 : i32
      %get3A_90 = arith.index_cast %get3A_89 : i32 to index
      %get3A_91 = arith.index_cast %mul3A_34 : i32 to index
      %get3A_92 = tpu.vector_load %arg4[%get3A_90, %get3A_91] {strides = array<i32>} : memref<26x512xi32, #tpu.memory_space<vmem>>, vector<1x16xi32>,
      %get3A_93 = vector.shape_cast %get3A_92 : vector<1x16xi32> to vector<16xi32>
      %add3A_94 = arith.constant 653854 : i32
      %add3A_95 = vector.broadcast %add3A_94 : i32 to vector<16xi32>
      %add3A_96 = arith.addi %get3A_93, %add3A_95 : vector<16xi32>
      %add3A_97 = arith.constant 8704 : i32
      %add3A_98 = arith.addi %add3A_97, %mul3A_34 : i32
      %swap3A_99 = arith.index_cast %add3A_98 : i32 to index
      %swap3A_100 = tpu.vector_load %arg5[%swap3A_99] {strides = array<i32>} : memref<13312xi32, #tpu.memory_space<vmem>>, vector<16xi32>,
      %swap3A_101 = vector.shape_cast %swap3A_100 : vector<16xi32> to vector<16xi32>
      %swap3A_102 = vector.shape_cast %add3A_96 : vector<16xi32> to vector<16xi32>
      tpu.vector_store %arg5[%swap3A_99], %swap3A_102 {strides = array<i32>} : memref<13312xi32, #tpu.memory_space<vmem>>, vector<16xi32>,
      %get3A_103 = arith.constant 18 : i32
      %get3A_104 = arith.index_cast %get3A_103 : i32 to index
      %get3A_105 = arith.index_cast %mul3A_34 : i32 to index
      %get3A_106 = tpu.vector_load %arg4[%get3A_104, %get3A_105] {strides = array<i32>} : memref<26x512xi32, #tpu.memory_space<vmem>>, vector<1x16xi32>,
      %get3A_107 = vector.shape_cast %get3A_106 : vector<1x16xi32> to vector<16xi32>
      %add3A_108 = arith.constant 692316 : i32
      %add3A_109 = vector.broadcast %add3A_108 : i32 to vector<16xi32>
      %add3A_110 = arith.addi %get3A_107, %add3A_109 : vector<16xi32>
      %add3A_111 = arith.constant 9216 : i32
      %add3A_112 = arith.addi %add3A_111, %mul3A_34 : i32
      %swap3A_113 = arith.index_cast %add3A_112 : i32 to index
      %swap3A_114 = tpu.vector_load %arg5[%swap3A_113] {strides = array<i32>} : memref<13312xi32, #tpu.memory_space<vmem>>, vector<16xi32>,
      %swap3A_115 = vector.shape_cast %swap3A_114 : vector<16xi32> to vector<16xi32>
      %swap3A_116 = vector.shape_cast %add3A_110 : vector<16xi32> to vector<16xi32>
      tpu.vector_store %arg5[%swap3A_113], %swap3A_116 {strides = array<i32>} : memref<13312xi32, #tpu.memory_space<vmem>>, vector<16xi32>,
      %get3A_117 = arith.constant 19 : i32
      %get3A_118 = arith.index_cast %get3A_117 : i32 to index
      %get3A_119 = arith.index_cast %mul3A_34 : i32 to index
      %get3A_120 = tpu.vector_load %arg4[%get3A_118, %get3A_119] {strides = array<i32>} : memref<26x512xi32, #tpu.memory_space<vmem>>, vector<1x16xi32>,
      %get3A_121 = vector.shape_cast %get3A_120 : vector<1x16xi32> to vector<16xi32>
      %add3A_122 = arith.constant 730778 : i32
      %add3A_123 = vector.broadcast %add3A_122 : i32 to vector<16xi32>
      %add3A_124 = arith.addi %get3A_121, %add3A_123 : vector<16xi32>
      %add3A_125 = arith.constant 9728 : i32
      %add3A_126 = arith.addi %add3A_125, %mul3A_34 : i32
      %swap3A_127 = arith.index_cast %add3A_126 : i32 to index
      %swap3A_128 = tpu.vector_load %arg5[%swap3A_127] {strides = array<i32>} : memref<13312xi32, #tpu.memory_space<vmem>>, vector<16xi32>,
      %swap3A_129 = vector.shape_cast %swap3A_128 : vector<16xi32> to vector<16xi32>
      %swap3A_130 = vector.shape_cast %add3A_124 : vector<16xi32> to vector<16xi32>
      tpu.vector_store %arg5[%swap3A_127], %swap3A_130 {strides = array<i32>} : memref<13312xi32, #tpu.memory_space<vmem>>, vector<16xi32>,
      %get3A_131 = arith.constant 20 : i32
      %get3A_132 = arith.index_cast %get3A_131 : i32 to index
      %get3A_133 = arith.index_cast %mul3A_34 : i32 to index
      %get3A_134 = tpu.vector_load %arg4[%get3A_132, %get3A_133] {strides = array<i32>} : memref<26x512xi32, #tpu.memory_space<vmem>>, vector<1x16xi32>,
      %get3A_135 = vector.shape_cast %get3A_134 : vector<1x16xi32> to vector<16xi32>
      %add3A_136 = arith.constant 769240 : i32
      %add3A_137 = vector.broadcast %add3A_136 : i32 to vector<16xi32>
      %add3A_138 = arith.addi %get3A_135, %add3A_137 : vector<16xi32>
      %add3A_139 = arith.constant 10240 : i32
      %add3A_140 = arith.addi %add3A_139, %mul3A_34 : i32
      %swap3A_141 = arith.index_cast %add3A_140 : i32 to index
      %swap3A_142 = tpu.vector_load %arg5[%swap3A_141] {strides = array<i32>} : memref<13312xi32, #tpu.memory_space<vmem>>, vector<16xi32>,
      %swap3A_143 = vector.shape_cast %swap3A_142 : vector<16xi32> to vector<16xi32>
      %swap3A_144 = vector.shape_cast %add3A_138 : vector<16xi32> to vector<16xi32>
      tpu.vector_store %arg5[%swap3A_141], %swap3A_144 {strides = array<i32>} : memref<13312xi32, #tpu.memory_space<vmem>>, vector<16xi32>,
      %get3A_145 = arith.constant 21 : i32
      %get3A_146 = arith.index_cast %get3A_145 : i32 to index
      %get3A_147 = arith.index_cast %mul3A_34 : i32 to index
      %get3A_148 = tpu.vector_load %arg4[%get3A_146, %get3A_147] {strides = array<i32>} : memref<26x512xi32, #tpu.memory_space<vmem>>, vector<1x16xi32>,
      %get3A_149 = vector.shape_cast %get3A_148 : vector<1x16xi32> to vector<16xi32>
      %add3A_150 = arith.constant 807702 : i32
      %add3A_151 = vector.broadcast %add3A_150 : i32 to vector<16xi32>
      %add3A_152 = arith.addi %get3A_149, %add3A_151 : vector<16xi32>
      %add3A_153 = arith.constant 10752 : i32
      %add3A_154 = arith.addi %add3A_153, %mul3A_34 : i32
      %swap3A_155 = arith.index_cast %add3A_154 : i32 to index
      %swap3A_156 = tpu.vector_load %arg5[%swap3A_155] {strides = array<i32>} : memref<13312xi32, #tpu.memory_space<vmem>>, vector<16xi32>,
      %swap3A_157 = vector.shape_cast %swap3A_156 : vector<16xi32> to vector<16xi32>
      %swap3A_158 = vector.shape_cast %add3A_152 : vector<16xi32> to vector<16xi32>
      tpu.vector_store %arg5[%swap3A_155], %swap3A_158 {strides = array<i32>} : memref<13312xi32, #tpu.memory_space<vmem>>, vector<16xi32>,
      %get3A_159 = arith.constant 22 : i32
      %get3A_160 = arith.index_cast %get3A_159 : i32 to index
      %get3A_161 = arith.index_cast %mul3A_34 : i32 to index
      %get3A_162 = tpu.vector_load %arg4[%get3A_160, %get3A_161] {strides = array<i32>} : memref<26x512xi32, #tpu.memory_space<vmem>>, vector<1x16xi32>,
      %get3A_163 = vector.shape_cast %get3A_162 : vector<1x16xi32> to vector<16xi32>
      %add3A_164 = arith.constant 846164 : i32
      %add3A_165 = vector.broadcast %add3A_164 : i32 to vector<16xi32>
      %add3A_166 = arith.addi %get3A_163, %add3A_165 : vector<16xi32>
      %add3A_167 = arith.constant 11264 : i32
      %add3A_168 = arith.addi %add3A_167, %mul3A_34 : i32
      %swap3A_169 = arith.index_cast %add3A_168 : i32 to index
      %swap3A_170 = tpu.vector_load %arg5[%swap3A_169] {strides = array<i32>} : memref<13312xi32, #tpu.memory_space<vmem>>, vector<16xi32>,
      %swap3A_171 = vector.shape_cast %swap3A_170 : vector<16xi32> to vector<16xi32>
      %swap3A_172 = vector.shape_cast %add3A_166 : vector<16xi32> to vector<16xi32>
      tpu.vector_store %arg5[%swap3A_169], %swap3A_172 {strides = array<i32>} : memref<13312xi32, #tpu.memory_space<vmem>>, vector<16xi32>,
      %get3A_173 = arith.constant 23 : i32
      %get3A_174 = arith.index_cast %get3A_173 : i32 to index
      %get3A_175 = arith.index_cast %mul3A_34 : i32 to index
      %get3A_176 = tpu.vector_load %arg4[%get3A_174, %get3A_175] {strides = array<i32>} : memref<26x512xi32, #tpu.memory_space<vmem>>, vector<1x16xi32>,
      %get3A_177 = vector.shape_cast %get3A_176 : vector<1x16xi32> to vector<16xi32>
      %add3A_178 = arith.constant 884626 : i32
      %add3A_179 = vector.broadcast %add3A_178 : i32 to vector<16xi32>
      %add3A_180 = arith.addi %get3A_177, %add3A_179 : vector<16xi32>
      %add3A_181 = arith.constant 11776 : i32
      %add3A_182 = arith.addi %add3A_181, %mul3A_34 : i32
      %swap3A_183 = arith.index_cast %add3A_182 : i32 to index
      %swap3A_184 = tpu.vector_load %arg5[%swap3A_183] {strides = array<i32>} : memref<13312xi32, #tpu.memory_space<vmem>>, vector<16xi32>,
      %swap3A_185 = vector.shape_cast %swap3A_184 : vector<16xi32> to vector<16xi32>
      %swap3A_186 = vector.shape_cast %add3A_180 : vector<16xi32> to vector<16xi32>
      tpu.vector_store %arg5[%swap3A_183], %swap3A_186 {strides = array<i32>} : memref<13312xi32, #tpu.memory_space<vmem>>, vector<16xi32>,
      %get3A_187 = arith.constant 24 : i32
      %get3A_188 = arith.index_cast %get3A_187 : i32 to index
      %get3A_189 = arith.index_cast %mul3A_34 : i32 to index
      %get3A_190 = tpu.vector_load %arg4[%get3A_188, %get3A_189] {strides = array<i32>} : memref<26x512xi32, #tpu.memory_space<vmem>>, vector<1x16xi32>,
      %get3A_191 = vector.shape_cast %get3A_190 : vector<1x16xi32> to vector<16xi32>
      %add3A_192 = arith.constant 923088 : i32
      %add3A_193 = vector.broadcast %add3A_192 : i32 to vector<16xi32>
      %add3A_194 = arith.addi %get3A_191, %add3A_193 : vector<16xi32>
      %add3A_195 = arith.constant 12288 : i32
      %add3A_196 = arith.addi %add3A_195, %mul3A_34 : i32
      %swap3A_197 = arith.index_cast %add3A_196 : i32 to index
      %swap3A_198 = tpu.vector_load %arg5[%swap3A_197] {strides = array<i32>} : memref<13312xi32, #tpu.memory_space<vmem>>, vector<16xi32>,
      %swap3A_199 = vector.shape_cast %swap3A_198 : vector<16xi32> to vector<16xi32>
      %swap3A_200 = vector.shape_cast %add3A_194 : vector<16xi32> to vector<16xi32>
      tpu.vector_store %arg5[%swap3A_197], %swap3A_200 {strides = array<i32>} : memref<13312xi32, #tpu.memory_space<vmem>>, vector<16xi32>,
      %get3A_201 = arith.constant 25 : i32
      %get3A_202 = arith.index_cast %get3A_201 : i32 to index
      %get3A_203 = arith.index_cast %mul3A_34 : i32 to index
      %get3A_204 = tpu.vector_load %arg4[%get3A_202, %get3A_203] {strides = array<i32>} : memref<26x512xi32, #tpu.memory_space<vmem>>, vector<1x16xi32>,
      %get3A_205 = vector.shape_cast %get3A_204 : vector<1x16xi32> to vector<16xi32>
      %add3A_206 = arith.constant 961550 : i32
      %add3A_207 = vector.broadcast %add3A_206 : i32 to vector<16xi32>
      %add3A_208 = arith.addi %get3A_205, %add3A_207 : vector<16xi32>
      %add3A_209 = arith.constant 12800 : i32
      %add3A_210 = arith.addi %add3A_209, %mul3A_34 : i32
      %swap3A_211 = arith.index_cast %add3A_210 : i32 to index
      %swap3A_212 = tpu.vector_load %arg5[%swap3A_211] {strides = array<i32>} : memref<13312xi32, #tpu.memory_space<vmem>>, vector<16xi32>,
      %swap3A_213 = vector.shape_cast %swap3A_212 : vector<16xi32> to vector<16xi32>
      %swap3A_214 = vector.shape_cast %add3A_208 : vector<16xi32> to vector<16xi32>
      tpu.vector_store %arg5[%swap3A_211], %swap3A_214 {strides = array<i32>} : memref<13312xi32, #tpu.memory_space<vmem>>, vector<16xi32>,
    }
    %scan3A_18 = arith.constant 32 : i32
    %mul3A_19 = arith.constant 13312 : i32
    %mul3A_20 = arith.muli %add3A, %mul3A_19 : i32
    %add3A_21 = arith.constant 6656 : i32
    %add3A_22 = arith.addi %mul3A_20, %add3A_21 : i32
    %dma_start3A_23 = arith.constant 6656 : i32
    %dma_start3A_24 = tpu.memref_slice %arg5[%dma_start3A_23] : memref<13312xi32, #tpu.memory_space<vmem>> -> memref<6656xi32, #tpu.memory_space<vmem>>
    %dma_start3A_25 = tpu.memref_slice %arg3[%add3A_22] : memref<425984xi32, #tpu.memory_space<hbm>> -> memref<6656xi32, #tpu.memory_space<hbm>>
    %dma_start3A_26 = tpu.memref_slice %arg3[%add3A_22] : memref<425984xi32, #tpu.memory_space<hbm>> -> memref<6656xi32, #tpu.memory_space<hbm>>
    %dma_start3A_27 = arith.constant 6656 : i32
    %dma_start3A_28 = tpu.memref_slice %arg5[%dma_start3A_27] : memref<13312xi32, #tpu.memory_space<vmem>> -> memref<6656xi32, #tpu.memory_space<vmem>>
    tpu.enqueue_dma source(%dma_start3A_28 : memref<6656xi32, #tpu.memory_space<vmem>>) target(%dma_start3A_26 : memref<6656xi32, #tpu.memory_space<hbm>>) target_semaphore(%arg6 : memref<!tpu.dma_semaphore, #tpu.memory_space<semaphore_mem>>)
    %mul3A_29 = arith.constant 13312 : i32
    %mul3A_30 = arith.muli %add3A, %mul3A_29 : i32
    %dma_wait3A = tpu.memref_slice %arg3[%mul3A_30] : memref<425984xi32, #tpu.memory_space<hbm>> -> memref<13312xi32, #tpu.memory_space<hbm>>
    %dma_wait3A_31 = tpu.memref_slice %arg3[%mul3A_30] : memref<425984xi32, #tpu.memory_space<hbm>> -> memref<13312xi32, #tpu.memory_space<hbm>>
    tpu.wait_dma2 semaphore(%arg6 : memref<!tpu.dma_semaphore, #tpu.memory_space<semaphore_mem>>) src(%arg5 : memref<13312xi32, #tpu.memory_space<vmem>>) dst(%dma_wait3A_31 : memref<13312xi32, #tpu.memory_space<hbm>>)
    return
  }
}

#map = affine_map<(d0, d1) -> (0)>
module attributes {stable_mosaic.version = 14 : i64} {
  func.func @_gather_body(%arg0: i32, %arg1: i32, %arg2: memref<425984xi32, #tpu.memory_space<hbm>>, %arg3: memref<1000448xf32, #tpu.memory_space<hbm>>, %arg4: memref<1xf32, #tpu.memory_space<hbm>>, %arg5: memref<16384xf32, #tpu.memory_space<hbm>>, %arg6: memref<13312xi32, #tpu.memory_space<vmem>>, %arg7: memref<13312xf32, #tpu.memory_space<vmem>>, %arg8: memref<512xf32, #tpu.memory_space<vmem>>, %arg9: memref<16xf32, #tpu.memory_space<vmem>>, %arg10: memref<!tpu.dma_semaphore, #tpu.memory_space<semaphore_mem>>, %arg11: memref<!tpu.dma_semaphore, #tpu.memory_space<semaphore_mem>>) attributes {dimension_semantics = [#tpu.dimension_semantics<core_parallel>, #tpu.dimension_semantics<subcore_parallel>], iteration_bounds = array<i64: 2, 16>, scalar_prefetch = 0 : i64, scratch_operands = 6 : i64, tpu.core_type = #tpu.core_type<sc_vector_subcore>, window_params = [{transform_indices = #map}, {transform_indices = #map}, {transform_indices = #map}, {transform_indices = #map}]} {
    %mul3A = arith.constant 2 : i32
    %mul3A_0 = arith.muli %arg1, %mul3A : i32
    %add3A = arith.addi %mul3A_0, %arg0 : i32
    %mul3A_1 = arith.constant 512 : i32
    %mul3A_2 = arith.muli %add3A, %mul3A_1 : i32
    %broadcast_in_dim3A = arith.constant 0.000000e+00 : f32
    %broadcast_in_dim3A_3 = vector.broadcast %broadcast_in_dim3A : f32 to vector<16xf32>
    %swap3A = arith.constant 0 : index
    %swap3A_4 = tpu.vector_load %arg9[%swap3A] {strides = array<i32>} : memref<16xf32, #tpu.memory_space<vmem>>, vector<16xf32>,
    tpu.vector_store %arg9[%swap3A], %broadcast_in_dim3A_3 {strides = array<i32>} : memref<16xf32, #tpu.memory_space<vmem>>, vector<16xf32>,
    %mul3A_5 = arith.constant 13312 : i32
    %mul3A_6 = arith.muli %add3A, %mul3A_5 : i32
    "tpu.region"() ({
      %run_scoped3A = tpu.sem_alloc : memref<!tpu.dma_semaphore, #tpu.memory_space<semaphore_mem>>
      %dma_start3A_47 = tpu.memref_slice %arg2[%mul3A_6] : memref<425984xi32, #tpu.memory_space<hbm>> -> memref<13312xi32, #tpu.memory_space<hbm>>
      %dma_start3A_48 = tpu.memref_slice %arg2[%mul3A_6] : memref<425984xi32, #tpu.memory_space<hbm>> -> memref<13312xi32, #tpu.memory_space<hbm>>
      tpu.enqueue_dma source(%dma_start3A_48 : memref<13312xi32, #tpu.memory_space<hbm>>) target(%arg6 : memref<13312xi32, #tpu.memory_space<vmem>>) target_semaphore(%run_scoped3A : memref<!tpu.dma_semaphore, #tpu.memory_space<semaphore_mem>>)
      %dma_wait3A_49 = tpu.memref_slice %arg2[%mul3A_6] : memref<425984xi32, #tpu.memory_space<hbm>> -> memref<13312xi32, #tpu.memory_space<hbm>>
      %dma_wait3A_50 = tpu.memref_slice %arg2[%mul3A_6] : memref<425984xi32, #tpu.memory_space<hbm>> -> memref<13312xi32, #tpu.memory_space<hbm>>
      tpu.wait_dma2 semaphore(%run_scoped3A : memref<!tpu.dma_semaphore, #tpu.memory_space<semaphore_mem>>) src(%dma_wait3A_50 : memref<13312xi32, #tpu.memory_space<hbm>>) dst(%arg6 : memref<13312xi32, #tpu.memory_space<vmem>>)
      tpu.yield
    }) : () -> ()
    "tpu.region"() ({
      %run_scoped3A = tpu.sem_alloc : memref<!tpu.dma_semaphore, #tpu.memory_space<semaphore_mem>>
      %dma_start3A_47 = arith.constant 0 : i32
      %dma_start3A_48 = tpu.memref_slice %arg9[%dma_start3A_47] : memref<16xf32, #tpu.memory_space<vmem>> -> memref<1xf32, #tpu.memory_space<vmem>>
      %dma_start3A_49 = arith.constant 0 : i32
      %dma_start3A_50 = tpu.memref_slice %arg9[%dma_start3A_49] : memref<16xf32, #tpu.memory_space<vmem>> -> memref<1xf32, #tpu.memory_space<vmem>>
      tpu.enqueue_dma source(%arg4 : memref<1xf32, #tpu.memory_space<hbm>>) target(%dma_start3A_50 : memref<1xf32, #tpu.memory_space<vmem>>) target_semaphore(%run_scoped3A : memref<!tpu.dma_semaphore, #tpu.memory_space<semaphore_mem>>)
      %dma_wait3A_51 = arith.constant 0 : i32
      %dma_wait3A_52 = tpu.memref_slice %arg9[%dma_wait3A_51] : memref<16xf32, #tpu.memory_space<vmem>> -> memref<1xf32, #tpu.memory_space<vmem>>
      %dma_wait3A_53 = arith.constant 0 : i32
      %dma_wait3A_54 = tpu.memref_slice %arg9[%dma_wait3A_53] : memref<16xf32, #tpu.memory_space<vmem>> -> memref<1xf32, #tpu.memory_space<vmem>>
      tpu.wait_dma2 semaphore(%run_scoped3A : memref<!tpu.dma_semaphore, #tpu.memory_space<semaphore_mem>>) src(%arg4 : memref<1xf32, #tpu.memory_space<hbm>>) dst(%dma_wait3A_54 : memref<1xf32, #tpu.memory_space<vmem>>)
      tpu.yield
    }) : () -> ()
    %get3A = arith.constant 0 : index
    %get3A_7 = tpu.vector_load %arg9[%get3A] {strides = array<i32>} : memref<16xf32, #tpu.memory_space<vmem>>, vector<16xf32>,
    %reduce_sum3A = arith.constant true
    %reduce_sum3A_8 = vector.broadcast %reduce_sum3A : i1 to vector<16xi1>
    %reduce_sum3A_9 = tpu.scan <sum>, %get3A_7 masked %reduce_sum3A_8 : vector<16xf32>, vector<16xi1> -> vector<16xf32>
    %reduce_sum3A_10 = vector.extract %reduce_sum3A_9[15] : f32 from vector<16xf32>
    %broadcast_in_dim3A_11 = vector.broadcast %reduce_sum3A_10 : f32 to vector<16xf32>
    %dma_start3A = arith.constant 0 : i32
    %dma_start3A_12 = tpu.memref_slice %arg7[%dma_start3A] : memref<13312xf32, #tpu.memory_space<vmem>> -> memref<6656xf32, #tpu.memory_space<vmem>>
    %dma_start3A_13 = arith.constant 0 : i32
    %dma_start3A_14 = tpu.memref_slice %arg6[%dma_start3A_13] : memref<13312xi32, #tpu.memory_space<vmem>> -> memref<6656xi32, #tpu.memory_space<vmem>>
    %dma_start3A_15 = arith.constant 0 : i32
    %dma_start3A_16 = tpu.memref_slice %arg3[%dma_start3A_15] : memref<1000448xf32, #tpu.memory_space<hbm>> -> memref<1000448xf32, #tpu.memory_space<hbm>>
    tpu.enqueue_indirect_dma source(%dma_start3A_16 : memref<1000448xf32, #tpu.memory_space<hbm>>) target(%dma_start3A_12 : memref<6656xf32, #tpu.memory_space<vmem>>) offsets(%dma_start3A_14 : memref<6656xi32, #tpu.memory_space<vmem>>) semaphore(%arg10 : memref<!tpu.dma_semaphore, #tpu.memory_space<semaphore_mem>>)
    %dma_start3A_17 = arith.constant 6656 : i32
    %dma_start3A_18 = tpu.memref_slice %arg7[%dma_start3A_17] : memref<13312xf32, #tpu.memory_space<vmem>> -> memref<6656xf32, #tpu.memory_space<vmem>>
    %dma_start3A_19 = arith.constant 6656 : i32
    %dma_start3A_20 = tpu.memref_slice %arg6[%dma_start3A_19] : memref<13312xi32, #tpu.memory_space<vmem>> -> memref<6656xi32, #tpu.memory_space<vmem>>
    %dma_start3A_21 = arith.constant 0 : i32
    %dma_start3A_22 = tpu.memref_slice %arg3[%dma_start3A_21] : memref<1000448xf32, #tpu.memory_space<hbm>> -> memref<1000448xf32, #tpu.memory_space<hbm>>
    tpu.enqueue_indirect_dma source(%dma_start3A_22 : memref<1000448xf32, #tpu.memory_space<hbm>>) target(%dma_start3A_18 : memref<6656xf32, #tpu.memory_space<vmem>>) offsets(%dma_start3A_20 : memref<6656xi32, #tpu.memory_space<vmem>>) semaphore(%arg11 : memref<!tpu.dma_semaphore, #tpu.memory_space<semaphore_mem>>)
    %dma_wait3A = arith.constant 0 : i32
    %dma_wait3A_23 = tpu.memref_slice %arg7[%dma_wait3A] : memref<13312xf32, #tpu.memory_space<vmem>> -> memref<6656xf32, #tpu.memory_space<vmem>>
    %dma_wait3A_24 = arith.constant 0 : i32
    %dma_wait3A_25 = tpu.memref_slice %arg3[%dma_wait3A_24] : memref<1000448xf32, #tpu.memory_space<hbm>> -> memref<6656xf32, #tpu.memory_space<hbm>>
    %dma_wait3A_26 = arith.constant 0 : i32
    %dma_wait3A_27 = tpu.memref_slice %arg7[%dma_wait3A_26] : memref<13312xf32, #tpu.memory_space<vmem>> -> memref<6656xf32, #tpu.memory_space<vmem>>
    %dma_wait3A_28 = arith.constant 0 : i32
    %dma_wait3A_29 = tpu.memref_slice %arg3[%dma_wait3A_28] : memref<1000448xf32, #tpu.memory_space<hbm>> -> memref<6656xf32, #tpu.memory_space<hbm>>
    tpu.wait_dma2 semaphore(%arg10 : memref<!tpu.dma_semaphore, #tpu.memory_space<semaphore_mem>>) src(%dma_wait3A_29 : memref<6656xf32, #tpu.memory_space<hbm>>) dst(%dma_wait3A_27 : memref<6656xf32, #tpu.memory_space<vmem>>)
    %scan3A = arith.constant 0 : i32
    %scan3A_30 = arith.constant 32 : i32
    %scan3A_31 = arith.addi %scan3A, %scan3A_30 : i32
    %scan3A_32 = arith.constant 1 : i32
    scf.for %scan3A_47 = %scan3A to %scan3A_31 step %scan3A_32  : i32 {
      %mul3A_48 = arith.constant 16 : i32
      %mul3A_49 = arith.muli %scan3A_47, %mul3A_48 : i32
      %add3A_50 = arith.constant 0 : i32
      %add3A_51 = arith.addi %add3A_50, %mul3A_49 : i32
      %get3A_52 = arith.index_cast %add3A_51 : i32 to index
      %get3A_53 = tpu.vector_load %arg7[%get3A_52] {strides = array<i32>} : memref<13312xf32, #tpu.memory_space<vmem>>, vector<16xf32>,
      %add3A_54 = arith.addf %broadcast_in_dim3A_11, %get3A_53 : vector<16xf32>
      %add3A_55 = arith.constant 512 : i32
      %add3A_56 = arith.addi %add3A_55, %mul3A_49 : i32
      %get3A_57 = arith.index_cast %add3A_56 : i32 to index
      %get3A_58 = tpu.vector_load %arg7[%get3A_57] {strides = array<i32>} : memref<13312xf32, #tpu.memory_space<vmem>>, vector<16xf32>,
      %add3A_59 = arith.addf %add3A_54, %get3A_58 : vector<16xf32>
      %add3A_60 = arith.constant 1024 : i32
      %add3A_61 = arith.addi %add3A_60, %mul3A_49 : i32
      %get3A_62 = arith.index_cast %add3A_61 : i32 to index
      %get3A_63 = tpu.vector_load %arg7[%get3A_62] {strides = array<i32>} : memref<13312xf32, #tpu.memory_space<vmem>>, vector<16xf32>,
      %add3A_64 = arith.addf %add3A_59, %get3A_63 : vector<16xf32>
      %add3A_65 = arith.constant 1536 : i32
      %add3A_66 = arith.addi %add3A_65, %mul3A_49 : i32
      %get3A_67 = arith.index_cast %add3A_66 : i32 to index
      %get3A_68 = tpu.vector_load %arg7[%get3A_67] {strides = array<i32>} : memref<13312xf32, #tpu.memory_space<vmem>>, vector<16xf32>,
      %add3A_69 = arith.addf %add3A_64, %get3A_68 : vector<16xf32>
      %add3A_70 = arith.constant 2048 : i32
      %add3A_71 = arith.addi %add3A_70, %mul3A_49 : i32
      %get3A_72 = arith.index_cast %add3A_71 : i32 to index
      %get3A_73 = tpu.vector_load %arg7[%get3A_72] {strides = array<i32>} : memref<13312xf32, #tpu.memory_space<vmem>>, vector<16xf32>,
      %add3A_74 = arith.addf %add3A_69, %get3A_73 : vector<16xf32>
      %add3A_75 = arith.constant 2560 : i32
      %add3A_76 = arith.addi %add3A_75, %mul3A_49 : i32
      %get3A_77 = arith.index_cast %add3A_76 : i32 to index
      %get3A_78 = tpu.vector_load %arg7[%get3A_77] {strides = array<i32>} : memref<13312xf32, #tpu.memory_space<vmem>>, vector<16xf32>,
      %add3A_79 = arith.addf %add3A_74, %get3A_78 : vector<16xf32>
      %add3A_80 = arith.constant 3072 : i32
      %add3A_81 = arith.addi %add3A_80, %mul3A_49 : i32
      %get3A_82 = arith.index_cast %add3A_81 : i32 to index
      %get3A_83 = tpu.vector_load %arg7[%get3A_82] {strides = array<i32>} : memref<13312xf32, #tpu.memory_space<vmem>>, vector<16xf32>,
      %add3A_84 = arith.addf %add3A_79, %get3A_83 : vector<16xf32>
      %add3A_85 = arith.constant 3584 : i32
      %add3A_86 = arith.addi %add3A_85, %mul3A_49 : i32
      %get3A_87 = arith.index_cast %add3A_86 : i32 to index
      %get3A_88 = tpu.vector_load %arg7[%get3A_87] {strides = array<i32>} : memref<13312xf32, #tpu.memory_space<vmem>>, vector<16xf32>,
      %add3A_89 = arith.addf %add3A_84, %get3A_88 : vector<16xf32>
      %add3A_90 = arith.constant 4096 : i32
      %add3A_91 = arith.addi %add3A_90, %mul3A_49 : i32
      %get3A_92 = arith.index_cast %add3A_91 : i32 to index
      %get3A_93 = tpu.vector_load %arg7[%get3A_92] {strides = array<i32>} : memref<13312xf32, #tpu.memory_space<vmem>>, vector<16xf32>,
      %add3A_94 = arith.addf %add3A_89, %get3A_93 : vector<16xf32>
      %add3A_95 = arith.constant 4608 : i32
      %add3A_96 = arith.addi %add3A_95, %mul3A_49 : i32
      %get3A_97 = arith.index_cast %add3A_96 : i32 to index
      %get3A_98 = tpu.vector_load %arg7[%get3A_97] {strides = array<i32>} : memref<13312xf32, #tpu.memory_space<vmem>>, vector<16xf32>,
      %add3A_99 = arith.addf %add3A_94, %get3A_98 : vector<16xf32>
      %add3A_100 = arith.constant 5120 : i32
      %add3A_101 = arith.addi %add3A_100, %mul3A_49 : i32
      %get3A_102 = arith.index_cast %add3A_101 : i32 to index
      %get3A_103 = tpu.vector_load %arg7[%get3A_102] {strides = array<i32>} : memref<13312xf32, #tpu.memory_space<vmem>>, vector<16xf32>,
      %add3A_104 = arith.addf %add3A_99, %get3A_103 : vector<16xf32>
      %add3A_105 = arith.constant 5632 : i32
      %add3A_106 = arith.addi %add3A_105, %mul3A_49 : i32
      %get3A_107 = arith.index_cast %add3A_106 : i32 to index
      %get3A_108 = tpu.vector_load %arg7[%get3A_107] {strides = array<i32>} : memref<13312xf32, #tpu.memory_space<vmem>>, vector<16xf32>,
      %add3A_109 = arith.addf %add3A_104, %get3A_108 : vector<16xf32>
      %add3A_110 = arith.constant 6144 : i32
      %add3A_111 = arith.addi %add3A_110, %mul3A_49 : i32
      %get3A_112 = arith.index_cast %add3A_111 : i32 to index
      %get3A_113 = tpu.vector_load %arg7[%get3A_112] {strides = array<i32>} : memref<13312xf32, #tpu.memory_space<vmem>>, vector<16xf32>,
      %add3A_114 = arith.addf %add3A_109, %get3A_113 : vector<16xf32>
      %swap3A_115 = arith.index_cast %mul3A_49 : i32 to index
      %swap3A_116 = tpu.vector_load %arg8[%swap3A_115] {strides = array<i32>} : memref<512xf32, #tpu.memory_space<vmem>>, vector<16xf32>,
      tpu.vector_store %arg8[%swap3A_115], %add3A_114 {strides = array<i32>} : memref<512xf32, #tpu.memory_space<vmem>>, vector<16xf32>,
    }
    %scan3A_33 = arith.constant 32 : i32
    %dma_wait3A_34 = arith.constant 6656 : i32
    %dma_wait3A_35 = tpu.memref_slice %arg7[%dma_wait3A_34] : memref<13312xf32, #tpu.memory_space<vmem>> -> memref<6656xf32, #tpu.memory_space<vmem>>
    %dma_wait3A_36 = arith.constant 0 : i32
    %dma_wait3A_37 = tpu.memref_slice %arg3[%dma_wait3A_36] : memref<1000448xf32, #tpu.memory_space<hbm>> -> memref<6656xf32, #tpu.memory_space<hbm>>
    %dma_wait3A_38 = arith.constant 6656 : i32
    %dma_wait3A_39 = tpu.memref_slice %arg7[%dma_wait3A_38] : memref<13312xf32, #tpu.memory_space<vmem>> -> memref<6656xf32, #tpu.memory_space<vmem>>
    %dma_wait3A_40 = arith.constant 0 : i32
    %dma_wait3A_41 = tpu.memref_slice %arg3[%dma_wait3A_40] : memref<1000448xf32, #tpu.memory_space<hbm>> -> memref<6656xf32, #tpu.memory_space<hbm>>
    tpu.wait_dma2 semaphore(%arg11 : memref<!tpu.dma_semaphore, #tpu.memory_space<semaphore_mem>>) src(%dma_wait3A_41 : memref<6656xf32, #tpu.memory_space<hbm>>) dst(%dma_wait3A_39 : memref<6656xf32, #tpu.memory_space<vmem>>)
    %scan3A_42 = arith.constant 0 : i32
    %scan3A_43 = arith.constant 32 : i32
    %scan3A_44 = arith.addi %scan3A_42, %scan3A_43 : i32
    %scan3A_45 = arith.constant 1 : i32
    scf.for %scan3A_47 = %scan3A_42 to %scan3A_44 step %scan3A_45  : i32 {
      %mul3A_48 = arith.constant 16 : i32
      %mul3A_49 = arith.muli %scan3A_47, %mul3A_48 : i32
      %get3A_50 = arith.index_cast %mul3A_49 : i32 to index
      %get3A_51 = tpu.vector_load %arg8[%get3A_50] {strides = array<i32>} : memref<512xf32, #tpu.memory_space<vmem>>, vector<16xf32>,
      %add3A_52 = arith.constant 6656 : i32
      %add3A_53 = arith.addi %add3A_52, %mul3A_49 : i32
      %get3A_54 = arith.index_cast %add3A_53 : i32 to index
      %get3A_55 = tpu.vector_load %arg7[%get3A_54] {strides = array<i32>} : memref<13312xf32, #tpu.memory_space<vmem>>, vector<16xf32>,
      %add3A_56 = arith.addf %get3A_51, %get3A_55 : vector<16xf32>
      %add3A_57 = arith.constant 7168 : i32
      %add3A_58 = arith.addi %add3A_57, %mul3A_49 : i32
      %get3A_59 = arith.index_cast %add3A_58 : i32 to index
      %get3A_60 = tpu.vector_load %arg7[%get3A_59] {strides = array<i32>} : memref<13312xf32, #tpu.memory_space<vmem>>, vector<16xf32>,
      %add3A_61 = arith.addf %add3A_56, %get3A_60 : vector<16xf32>
      %add3A_62 = arith.constant 7680 : i32
      %add3A_63 = arith.addi %add3A_62, %mul3A_49 : i32
      %get3A_64 = arith.index_cast %add3A_63 : i32 to index
      %get3A_65 = tpu.vector_load %arg7[%get3A_64] {strides = array<i32>} : memref<13312xf32, #tpu.memory_space<vmem>>, vector<16xf32>,
      %add3A_66 = arith.addf %add3A_61, %get3A_65 : vector<16xf32>
      %add3A_67 = arith.constant 8192 : i32
      %add3A_68 = arith.addi %add3A_67, %mul3A_49 : i32
      %get3A_69 = arith.index_cast %add3A_68 : i32 to index
      %get3A_70 = tpu.vector_load %arg7[%get3A_69] {strides = array<i32>} : memref<13312xf32, #tpu.memory_space<vmem>>, vector<16xf32>,
      %add3A_71 = arith.addf %add3A_66, %get3A_70 : vector<16xf32>
      %add3A_72 = arith.constant 8704 : i32
      %add3A_73 = arith.addi %add3A_72, %mul3A_49 : i32
      %get3A_74 = arith.index_cast %add3A_73 : i32 to index
      %get3A_75 = tpu.vector_load %arg7[%get3A_74] {strides = array<i32>} : memref<13312xf32, #tpu.memory_space<vmem>>, vector<16xf32>,
      %add3A_76 = arith.addf %add3A_71, %get3A_75 : vector<16xf32>
      %add3A_77 = arith.constant 9216 : i32
      %add3A_78 = arith.addi %add3A_77, %mul3A_49 : i32
      %get3A_79 = arith.index_cast %add3A_78 : i32 to index
      %get3A_80 = tpu.vector_load %arg7[%get3A_79] {strides = array<i32>} : memref<13312xf32, #tpu.memory_space<vmem>>, vector<16xf32>,
      %add3A_81 = arith.addf %add3A_76, %get3A_80 : vector<16xf32>
      %add3A_82 = arith.constant 9728 : i32
      %add3A_83 = arith.addi %add3A_82, %mul3A_49 : i32
      %get3A_84 = arith.index_cast %add3A_83 : i32 to index
      %get3A_85 = tpu.vector_load %arg7[%get3A_84] {strides = array<i32>} : memref<13312xf32, #tpu.memory_space<vmem>>, vector<16xf32>,
      %add3A_86 = arith.addf %add3A_81, %get3A_85 : vector<16xf32>
      %add3A_87 = arith.constant 10240 : i32
      %add3A_88 = arith.addi %add3A_87, %mul3A_49 : i32
      %get3A_89 = arith.index_cast %add3A_88 : i32 to index
      %get3A_90 = tpu.vector_load %arg7[%get3A_89] {strides = array<i32>} : memref<13312xf32, #tpu.memory_space<vmem>>, vector<16xf32>,
      %add3A_91 = arith.addf %add3A_86, %get3A_90 : vector<16xf32>
      %add3A_92 = arith.constant 10752 : i32
      %add3A_93 = arith.addi %add3A_92, %mul3A_49 : i32
      %get3A_94 = arith.index_cast %add3A_93 : i32 to index
      %get3A_95 = tpu.vector_load %arg7[%get3A_94] {strides = array<i32>} : memref<13312xf32, #tpu.memory_space<vmem>>, vector<16xf32>,
      %add3A_96 = arith.addf %add3A_91, %get3A_95 : vector<16xf32>
      %add3A_97 = arith.constant 11264 : i32
      %add3A_98 = arith.addi %add3A_97, %mul3A_49 : i32
      %get3A_99 = arith.index_cast %add3A_98 : i32 to index
      %get3A_100 = tpu.vector_load %arg7[%get3A_99] {strides = array<i32>} : memref<13312xf32, #tpu.memory_space<vmem>>, vector<16xf32>,
      %add3A_101 = arith.addf %add3A_96, %get3A_100 : vector<16xf32>
      %add3A_102 = arith.constant 11776 : i32
      %add3A_103 = arith.addi %add3A_102, %mul3A_49 : i32
      %get3A_104 = arith.index_cast %add3A_103 : i32 to index
      %get3A_105 = tpu.vector_load %arg7[%get3A_104] {strides = array<i32>} : memref<13312xf32, #tpu.memory_space<vmem>>, vector<16xf32>,
      %add3A_106 = arith.addf %add3A_101, %get3A_105 : vector<16xf32>
      %add3A_107 = arith.constant 12288 : i32
      %add3A_108 = arith.addi %add3A_107, %mul3A_49 : i32
      %get3A_109 = arith.index_cast %add3A_108 : i32 to index
      %get3A_110 = tpu.vector_load %arg7[%get3A_109] {strides = array<i32>} : memref<13312xf32, #tpu.memory_space<vmem>>, vector<16xf32>,
      %add3A_111 = arith.addf %add3A_106, %get3A_110 : vector<16xf32>
      %add3A_112 = arith.constant 12800 : i32
      %add3A_113 = arith.addi %add3A_112, %mul3A_49 : i32
      %get3A_114 = arith.index_cast %add3A_113 : i32 to index
      %get3A_115 = tpu.vector_load %arg7[%get3A_114] {strides = array<i32>} : memref<13312xf32, #tpu.memory_space<vmem>>, vector<16xf32>,
      %add3A_116 = arith.addf %add3A_111, %get3A_115 : vector<16xf32>
      %neg3A = arith.constant 0.000000e+00 : f32
      %neg3A_117 = vector.broadcast %neg3A : f32 to vector<16xf32>
      %neg3A_118 = arith.subf %neg3A_117, %add3A_116 : vector<16xf32>
      %exp3A = math.exp %neg3A_118 : vector<16xf32>
      %add3A_119 = arith.constant 1.000000e+00 : f32
      %add3A_120 = vector.broadcast %add3A_119 : f32 to vector<16xf32>
      %add3A_121 = arith.addf %add3A_120, %exp3A : vector<16xf32>
      %div3A = arith.constant 1.000000e+00 : f32
      %div3A_122 = vector.broadcast %div3A : f32 to vector<16xf32>
      %div3A_123 = arith.divf %div3A_122, %add3A_121 : vector<16xf32>
      %swap3A_124 = arith.index_cast %mul3A_49 : i32 to index
      %swap3A_125 = tpu.vector_load %arg8[%swap3A_124] {strides = array<i32>} : memref<512xf32, #tpu.memory_space<vmem>>, vector<16xf32>,
      tpu.vector_store %arg8[%swap3A_124], %div3A_123 {strides = array<i32>} : memref<512xf32, #tpu.memory_space<vmem>>, vector<16xf32>,
    }
    %scan3A_46 = arith.constant 32 : i32
    "tpu.region"() ({
      %run_scoped3A = tpu.sem_alloc : memref<!tpu.dma_semaphore, #tpu.memory_space<semaphore_mem>>
      %dma_start3A_47 = tpu.memref_slice %arg5[%mul3A_2] : memref<16384xf32, #tpu.memory_space<hbm>> -> memref<512xf32, #tpu.memory_space<hbm>>
      %dma_start3A_48 = tpu.memref_slice %arg5[%mul3A_2] : memref<16384xf32, #tpu.memory_space<hbm>> -> memref<512xf32, #tpu.memory_space<hbm>>
      tpu.enqueue_dma source(%arg8 : memref<512xf32, #tpu.memory_space<vmem>>) target(%dma_start3A_48 : memref<512xf32, #tpu.memory_space<hbm>>) target_semaphore(%run_scoped3A : memref<!tpu.dma_semaphore, #tpu.memory_space<semaphore_mem>>)
      %dma_wait3A_49 = tpu.memref_slice %arg5[%mul3A_2] : memref<16384xf32, #tpu.memory_space<hbm>> -> memref<512xf32, #tpu.memory_space<hbm>>
      %dma_wait3A_50 = tpu.memref_slice %arg5[%mul3A_2] : memref<16384xf32, #tpu.memory_space<hbm>> -> memref<512xf32, #tpu.memory_space<hbm>>
      tpu.wait_dma2 semaphore(%run_scoped3A : memref<!tpu.dma_semaphore, #tpu.memory_space<semaphore_mem>>) src(%arg8 : memref<512xf32, #tpu.memory_space<vmem>>) dst(%dma_wait3A_50 : memref<512xf32, #tpu.memory_space<hbm>>)
      tpu.yield
    }) : () -> ()
    return
  }
}

</mosaic_0001>

<sc_bundles>
// kernel: kernel.4.cloned.1.call-start
scs
__scs_entry_jumppad:
0x0: {  	(pc) =	sbr.rel $0x88, $3  }
0x1: {  	(tag) =	ssettag $0x0;
	lr =	simm.s32 $0x1  }
0x2: {  	[smem:$0x3F9E] =	sst lr;
	_ =	strace $0xD0000000  }
0x3: {  	_ = 	snop  }
0x4: {  	_ = 	snop  }
0x5: {  	_ = 	snop  }
0x6: {  	_ = 	snop  }
0x7: {  	_ = 	snop  }
__scs_overlays_trampoline_lowered:
0x8: {  	[smem:$0x3FAD] =	sst s0  }
0x9: {  	[smem:$0x3FAE] =	sst s1  }
0xa: {  	[smem:$0x3FAF] =	sst s2  }
0xb: {  	[smem:$0x3FB0] =	sst s3  }
0xc: {  	[smem:$0x3FB1] =	sst s4  }
0xd: {  	[smem:$0x3FB2] =	sst s5  }
0xe: {  	[smem:$0x3FB3] =	sst s6  }
0xf: {  	[smem:$0x3FB4] =	sst s7  }
0x10: {  	[smem:$0x3FB5] =	sst s8  }
0x11: {  	[smem:$0x3FB6] =	sst s9;
	s0 =	simm.s32 @!p0 $0x0  }
0x12: {  	s1 =	sld [smem:$0x3F9C];
	s0 =	simm.s32 @p0 $0x1  }
0x13: {  	[smem:$0x3FB7] =	sst s0;
	s0 =	simm.s32 @!p1 $0x0  }
0x14: {  	s2 =	sld [smem:$0x3F9B];
	s0 =	simm.s32 @p1 $0x1  }
0x15: {  	[smem:$0x3FB8] =	sst s0;
	s0 =	simm.s32 @!p2 $0x0  }
0x16: {  	s3 =	sld [smem:$0x3FDB];
	s0 =	simm.s32 @p2 $0x1  }
0x17: {  	s4 =	simm.s32 $0x1BF5;
	[smem:$0x3FBA] =	sst s0  }
0x18: {  	s0 =	sld [smem:$0x3F9D];
	_ =	swait.ge [sflag:s4], $0x0  }
0x19: {  	s7 =	sld [smem:$0x3F9E]  }
0x1a: {  	s8 =	sadd.s32 $0xFFFFE003, lr  }
0x1b: {  	s9 =	sadd.s32 $0xFFFFFEF7, lr;
	s5 =	simm.s32 $0xFFFFFFFF;
	p2 =	slt.u32 s8, $0xFFFFF086  }
0x1c: {  	p1 =	slt.u32 s9, $0xF7A;
	s5 =	simm.s32 @!p2 $0x0  }
0x1d: {  	s5 =	simm.s32 @p1 $0x1;
	p0 =	seq.s32 s7, s2  }
0x1e: {  	s7 =	smul.u32 @!p0 $0xF7A, s2;
	p2 =	seq.s32 @!p0 s5, $0x0  }
0x1f: {  	s9 =	smul.u32 $0xF7A, s1;
	s8 =	simm.s32 @!p0 $0x1BF5;
	p2 =	por !p2, p0  }
0x20: {  	[sflag:s8] =	ssyncset.s32 @!p0 $0xFFFFF086;
	s6 =	sadd.s32 @!p0 s3, s7;
	s7 =	simm.s32 @!p0 $0x108  }
0x21: {  	s3 =	sadd.s32 s3, s9;
	s6 =	sadd.s32 @!p0 $0x88, s6;
	s7 =	simm.s32 @p2 $0x1082  }
0x22: {  	[simem:s7], [sflag:s8] =	dma.local @!p0 [hbm:s6], $0xF7A  }
0x23: {  	s9 =	sor.u32 $0xD0000000, s2;
	s6 =	simm.s32 $0x108;
	_ =	swait.ge @!p0 [sflag:s8], $0x0  }
0x24: {  	s3 =	sadd.s32 $0x88, s3;
	s6 =	simm.s32 @!p1 $0x1082;
	[sflag:s4] =	ssyncset.s32 $0xFFFFF086  }
0x25: {  	[simem:s6], [sflag:s4] =	dma.local [hbm:s3], $0xF7A  }
0x26: {  	[smem:$0x3F9E] =	sst s1;
	(tag) =	ssettag s2;
	_ =	strace s9  }
0x27: {  	s1 =	sld [smem:$0x3FAE]  }
0x28: {  	s2 =	sld [smem:$0x3FAF]  }
0x29: {  	s4 =	sld [smem:$0x3FB1]  }
0x2a: {  	p0 =	seq.s32 s5, $0x0;
	s5 =	sld [smem:$0x3FB2]  }
0x2b: {  	s6 =	sld [smem:$0x3FB3]  }
0x2c: {  	s7 =	sld [smem:$0x3FB4]  }
0x2d: {  	s3 =	simm.s32 $0x108;
	s8 =	sld [smem:$0x3FB5]  }
0x2e: {  	s3 =	simm.s32 @!p0 $0x1082;
	s9 =	sld [smem:$0x3FB6]  }
0x2f: {  	lr =	sadd.s32 s0, s3;
	s0 =	sld [smem:$0x3FAD]  }
0x30: {  	s3 =	sld [smem:$0x3FB0]  }
0x31: {  	[smem:$0x3FB9] =	sst s10  }
0x32: {  	s10 =	sld [smem:$0x3FB7];
	_ =	sdelay $0x3  }
0x33: {  	p0 =	seq.s32 s10, $0x1;
	s10 =	sld [smem:$0x3FB9];
	_ =	sdelay $0x3  }
0x34: {  	[smem:$0x3FB9] =	sst s10  }
0x35: {  	s10 =	sld [smem:$0x3FB8];
	_ =	sdelay $0x3  }
0x36: {  	p1 =	seq.s32 s10, $0x1;
	s10 =	sld [smem:$0x3FB9];
	_ =	sdelay $0x3  }
0x37: {  	[smem:$0x3FB9] =	sst s10  }
0x38: {  	s10 =	sld [smem:$0x3FBA]  }
0x39: {  	_ = 	snop;
	(pc) =	sbr.ind lr, $3  }
0x3a: {  	_ = 	snop  }
0x3b: {  	_ = 	snop  }
0x3c: {  	p2 =	seq.s32 s10, $0x1;
	s10 =	sld [smem:$0x3FB9]  }
0x3d: {  	_ =	shalt  }
0x3e: {  	_ =	shalt  }
0x3f: {  	_ =	shalt  }
0x40: {  	_ =	shalt  }
0x41: {  	_ =	shalt  }
0x42: {  	_ =	shalt  }
0x43: {  	_ =	shalt  }
0x44: {  	_ =	shalt  }
0x45: {  	_ =	shalt  }
0x46: {  	_ =	shalt  }
0x47: {  	_ =	shalt  }
0x48: {  	_ =	shalt  }
0x49: {  	_ =	shalt  }
0x4a: {  	_ =	shalt  }
0x4b: {  	_ =	shalt  }
0x4c: {  	_ =	shalt  }
0x4d: {  	_ =	shalt  }
0x4e: {  	_ =	shalt  }
0x4f: {  	_ =	shalt  }
0x50: {  	_ =	shalt  }
0x51: {  	_ =	shalt  }
0x52: {  	_ =	shalt  }
0x53: {  	_ =	shalt  }
0x54: {  	_ =	shalt  }
0x55: {  	_ =	shalt  }
0x56: {  	_ =	shalt  }
0x57: {  	_ =	shalt  }
0x58: {  	_ =	shalt  }
0x59: {  	_ =	shalt  }
0x5a: {  	_ =	shalt  }
0x5b: {  	_ =	shalt  }
0x5c: {  	_ =	shalt  }
0x5d: {  	_ =	shalt  }
0x5e: {  	_ =	shalt  }
0x5f: {  	_ =	shalt  }
0x60: {  	_ =	shalt  }
0x61: {  	_ =	shalt  }
0x62: {  	_ =	shalt  }
0x63: {  	_ =	shalt  }
0x64: {  	_ =	shalt  }
0x65: {  	_ =	shalt  }
0x66: {  	_ =	shalt  }
0x67: {  	_ =	shalt  }
0x68: {  	_ =	shalt  }
0x69: {  	_ =	shalt  }
0x6a: {  	_ =	shalt  }
0x6b: {  	_ =	shalt  }
0x6c: {  	_ =	shalt  }
0x6d: {  	_ =	shalt  }
0x6e: {  	_ =	shalt  }
0x6f: {  	_ =	shalt  }
0x70: {  	_ =	shalt  }
0x71: {  	_ =	shalt  }
0x72: {  	_ =	shalt  }
0x73: {  	_ =	shalt  }
0x74: {  	_ =	shalt  }
0x75: {  	_ =	shalt  }
0x76: {  	_ =	shalt  }
0x77: {  	_ =	shalt  }
0x78: {  	_ =	shalt  }
0x79: {  	_ =	shalt  }
0x7a: {  	_ =	shalt  }
0x7b: {  	_ =	shalt  }
0x7c: {  	_ =	shalt  }
0x7d: {  	_ =	shalt  }
0x7e: {  	_ =	shalt  }
0x7f: {  	_ =	shalt  }
0x80: {  	_ =	shalt  }
0x81: {  	_ =	shalt  }
0x82: {  	_ =	shalt  }
0x83: {  	_ =	shalt  }
0x84: {  	_ =	shalt  }
0x85: {  	_ =	shalt  }
0x86: {  	_ =	shalt  }
0x87: {  	_ =	shalt  }
.Lfunc_end0:
.L_simem_size_0:
called_computation_lowered:
.L_overlay_start_0:
0x88: {  	s2 =	sld [smem:$0x3FD9]  }
0x89: {  	s3 =	sld [smem:$0x3FFE];
	_ =	sdelay $0x1  }
0x8a: {  	s1 =	srdreg.scid  }
0x8b: {  	s0 =	sand.u32 $0x1, s1  }
0x8c: {  	s17 =	sshll.u32 s0, $0xA;
	s2 =	sadd.s32 s3, s2  }
0x8d: {  	s2 =	sadd.s32 s2, s17  }
0x8e: {  	[smem:$0x3FC5] =	sst s2  }
0x8f: {  	_ = 	snop  }
0x90: {  	s2 =	sld [smem:$0x3FC9];
	(tm) =	ssettm $0x1  }
0x91: {  	s18 =	sld [smem:$0x3FFB];
	_ =	sdelay $0x3  }
0x92: {  	_ =	strace s18  }
0x93: {  	s3 =	sld [smem:$0x3FFC];
	_ =	sdelay $0x3  }
0x94: {  	_ =	strace s3  }
0x95: {  	s3 =	sld [smem:$0x3FFD];
	_ =	sdelay $0x3  }
0x96: {  	_ =	strace s3  }
0x97: {  	_ =	strace $0x8FFFFFFF  }
0x98: {  	s19 =	sld [smem:$0x3FDB];
	_ =	sdelay $0x1  }
0x99: {  	s4 =	simm.s32 $_scs_section_size  }
0x9a: {  	s5 =	simm.s32 $_size__tile_overlayer_lowered;
	s6 =	simm.s32 $_tile_overlayer_lowered  }
0x9b: {  	s22 =	simm.s32 $0x1BFF;
	s21 =	sshll.u32 s6, $0x1;
	s3 =	sadd.s32 s4, s19  }
0x9c: {  	s7 =	simm.s32 $0x0;
	s20 =	sshll.u32 s5, $0x1;
	s5 =	sadd.s32 s21, s3  }
0x9d: {  	[timem:s7], [sflag:s22] =	dma.local [hbm:s5], s20  }
0x9e: {  	_ =	swait.ge [sflag:s22], s20  }
0x9f: {  	s4 =	ssub.s32 $0x0, s20;
	[sflag:s22] =	ssyncset.done $0x0  }
0xa0: {  	[sflag:s22] =	ssyncadd.s32 s4;
	_ =	sdelay $0x1  }
0xa1: {  	s23 =	simm.s32 $0x1B8B  }
0xa2: {  	_ =	swait.ge [sflag:s23], $0x1  }
0xa3: {  	[sflag:s23] =	ssyncset.done $0x0  }
0xa4: {  	s25 =	simm.s32 $0x1B8E;
	s24 =	sld [smem:$0x3FFE];
	[sflag:s23] =	ssyncadd.s32 $0xFFFFFFFF  }
0xa5: {  	s26 =	simm.s32 $execute0_lowered;
	[smem:$0x3FD2] =	sst s25  }
0xa6: {  	s5 =	sshll.u32 s26, $0x1;
	_ =	strace $0x80000046;
	[dreg:$0x1] =	wrdreg $0xFFFFFFFF  }
0xa7: {  	s28 =	simm.s32 $_size_execute0_lowered;
	s3 =	sadd.s32 s3, s5;
	[dreg:$0x0] =	wrdreg $0x0  }
0xa8: {  	s5 =	sshll.u32 s28, $0x1;
	[dreg:$0x2] =	wrdreg s3  }
0xa9: {  	[dreg:$0x3] =	wrdreg s5  }
0xaa: {  	[dreg:$0x4] =	wrdreg $0xC0  }
0xab: {  	_ =	task [dreg:s7], $0x5FFFF  }
0xac: {  	[dreg:$0x1] =	wrdreg $0xFFFFFFFF  }
0xad: {  	[dreg:$0x0] =	wrdreg $0x60  }
0xae: {  	[dreg:$0x2] =	wrdreg s2  }
0xaf: {  	[dreg:$0x3] =	wrdreg s24  }
0xb0: {  	[dreg:$0x4] =	wrdreg $0x9  }
0xb1: {  	_ =	task.clear_ibuf [dreg:s7], $0x5FFFF;
	_ =	strace $0x90000046  }
0xb2: {  	s29 =	simm.s32 $0x9;
	_ =	strace $0x80000048  }
0xb3: {  	_ =	swait.ge [sflag:s29], $0x1  }
0xb4: {  	[sflag:s29] =	ssyncadd.s32 $0xFFFFFFFF  }
0xb5: {  	_ =	strace $0x90000048  }
0xb6: {  	_ =	sfence  }
0xb7: {  	s30 =	sld [smem:$0x0];
	_ =	sdelay $0x2  }
0xb8: {  	s31 =	sshll.u32 s1, $0xD;
	s1 =	sshrl.u32 s1, $0x2  }
0xb9: {  	s3 =	sand.u32 $0x4000, s31;
	s1 =	sadd.s32 s1, s30  }
0xba: {  	s0 =	sor.u32 s3, s0;
	s1 =	sshll.u32 s1, $0x11  }
0xbb: {  	s0 =	sor.u32 s1, s0  }
0xbc: {  	s0 =	sadd.s32 $0x8F2B, s0  }
0xbd: {  	[sflag:s0] =	ssyncadd.remote.s32 $0x1  }
0xbe: {  	_ =	sfence.sel $0xFFFF  }
0xbf: {  	[dreg:$0x0] =	wrdreg $0xFFFFFFFF;
	(pc) =	sbr.abs _section_cstart, $3  }
0xc0: {  	[dreg:$0x1] =	wrdreg $0xFFFFFFFF  }
0xc1: {  	_ =	task.clear_ibuf [dreg:s7], $0x2FFFF;
	_ =	strace $0x9FFFFFFF  }
0xc2: {  	(tm) =	ssettm $0x7FFFFFFF  }
0xc3: {  	_ =	shalt  }
tec
execute0_lowered:
.L_overlay_start_1:
0x0: {  	(tag) =	ssettag $0x1  }
0x1: {  	s1 =	srdreg.scid;
	s3 =	rddreg [dreg:$0x0]  }
0x2: {  	s0 =	stileid.u32;
	s5 =	rddreg [dreg:$0x1];
	s2 =	simm.s32 $0x0  }
0x3: {  	s8 =	simm.s32 $0x20000;
	s4 =	sand.u32 $0x1, s1;
	s30 =	sshll.u32 s0, $0x1  }
0x4: {  	s9 =	simm.s32 $0x2;
	s10 =	simm.s32 $0x4000;
	s6 =	sor.u32 s4, s30  }
0x5: {  	s11 =	simm.s32 $0x5A00;
	s1 =	rddreg [dreg:$0x2];
	s7 =	smul.u32 $0x3400, s6  }
0x6: {  	s12 =	simm.s32 $0x1;
	s13 =	simm.s32 $0x0;
	[smem:$0x7FF] =	sst s2  }
0x7: {  	_ =	strace $0x80000047;
	s4 =	ssub.s32 $0x2, s4;
	s7 =	sshrl.u32 s7, $0x3  }
0x8: {  	s31 =	sshrl.u32 s4, $0x1;
	s6 =	sshll.u32 s6, $0x9;
	s5 =	sadd.s32 s7, s5  }
0x9: {  	s3 =	sadd.s32 s3, s6;
	s7 =	ssub.s32 s4, s31;
	s4 =	sadd.s32 $0xA00, s5  }
0xa: {  	s5 =	sadd.s32 $0xD40, s5;
	s6 =	smax.u32 s7, $0x1;
	s7 =	simm.s32 $0x1000  }
.LBB2_1:
0xb: {  	[tilespmem:s2], [sflag:$0x2] =	stream.strided.gather [hbm4b:s3+s7], $0x4000, s8, s7, $0x38;
	[tilespmem:$0x7400] =	vst v63  }
0xc: {  	_ =	swait.ge [sflag:s9], $0x4000  }
0xd: {  	s14 =	sand.u32 $0x70, s2;
	s15 =	sand.u32 $0xC00, s2;
	[sflag:s9] =	ssyncset.done $0x0  }
0xe: {  	s14 =	sor.u32 s14, s15;
	[sflag:s9] =	ssyncadd.s32 $0xFFFFC000  }
0xf: {  	v0 =	vld [tilespmem:s14+$0x0];
	_ =	sdelay $0x4  }
0x10: {  	[tilespmem:s10+$0x0] =	vst v0  }
0x11: {  	v0 =	vld [tilespmem:s14+$0x80];
	_ =	sdelay $0x4  }
0x12: {  	s16 =	sand.u32 $0x1F0, s2;
	v0 =	vadd.s32 $0x963E, v0  }
0x13: {  	[tilespmem:s16+$0x4200] =	vst v0  }
0x14: {  	v0 =	vld [tilespmem:s14+$0x100];
	_ =	sdelay $0x4  }
0x15: {  	v0 =	vadd.s32 $0x12C7C, v0  }
0x16: {  	[tilespmem:s16+$0x4400] =	vst v0  }
0x17: {  	v0 =	vld [tilespmem:s14+$0x180];
	_ =	sdelay $0x4  }
0x18: {  	v0 =	vadd.s32 $0x1C2BA, v0  }
0x19: {  	[tilespmem:s16+$0x4600] =	vst v0  }
0x1a: {  	v0 =	vld [tilespmem:s14+$0x200];
	_ =	sdelay $0x4  }
0x1b: {  	v0 =	vadd.s32 $0x258F8, v0  }
0x1c: {  	[tilespmem:s16+$0x4800] =	vst v0  }
0x1d: {  	v0 =	vld [tilespmem:s14+$0x280];
	_ =	sdelay $0x4  }
0x1e: {  	v0 =	vadd.s32 $0x2EF36, v0  }
0x1f: {  	[tilespmem:s16+$0x4A00] =	vst v0  }
0x20: {  	v0 =	vld [tilespmem:s14+$0x300];
	_ =	sdelay $0x4  }
0x21: {  	s31 =	sor.u32 s2, s2;
	v0 =	vadd.s32 $0x38574, v0  }
0x22: {  	s15 =	sor.u32 $0x380, s31;
	[tilespmem:s16+$0x4C00] =	vst v0  }
0x23: {  	v0 =	vld [tilespmem:s15+$0x0];
	_ =	sdelay $0x4  }
0x24: {  	v0 =	vadd.s32 $0x41BB2, v0  }
0x25: {  	[tilespmem:s16+$0x4E00] =	vst v0  }
0x26: {  	v0 =	vld [tilespmem:s14+$0x1000];
	_ =	sdelay $0x4  }
0x27: {  	v0 =	vadd.s32 $0x4B1F0, v0  }
0x28: {  	[tilespmem:s16+$0x5000] =	vst v0  }
0x29: {  	v0 =	vld [tilespmem:s14+$0x1080];
	_ =	sdelay $0x4  }
0x2a: {  	v0 =	vadd.s32 $0x5482E, v0  }
0x2b: {  	[tilespmem:s16+$0x5200] =	vst v0  }
0x2c: {  	v0 =	vld [tilespmem:s14+$0x1100];
	_ =	sdelay $0x4  }
0x2d: {  	v0 =	vadd.s32 $0x5DE6C, v0  }
0x2e: {  	[tilespmem:s16+$0x5400] =	vst v0  }
0x2f: {  	v0 =	vld [tilespmem:s14+$0x1180];
	_ =	sdelay $0x4  }
0x30: {  	v0 =	vadd.s32 $0x674AA, v0  }
0x31: {  	[tilespmem:s16+$0x5600] =	vst v0  }
0x32: {  	v0 =	vld [tilespmem:s14+$0x1200];
	_ =	sdelay $0x3  }
0x33: {  	s18 =	simm.s32 $0x20;
	s15 =	simm.s32 $0x80;
	s14 =	simm.s32 $0x10  }
0x34: {  	s17 =	simm.s32 $0x4000;
	s20 =	sand.u32 $0xC00, s15;
	s19 =	sand.u32 $0x70, s14;
	v0 =	vadd.s32 $0x70AE8, v0  }
.LBB2_2:
0x35: {  	p0 =	sne.s32 s18, $0x1F0;
	s19 =	sor.u32 s19, s20;
	[tilespmem:s16+$0x5800] =	vst v0  }
0x36: {  	v0 =	vld [tilespmem:s19+$0x0];
	_ =	sdelay $0x3  }
0x37: {  	s17 =	sadd.s32 $0x10, s17  }
0x38: {  	[tilespmem:s17+$0x0] =	vst v0  }
0x39: {  	v0 =	vld [tilespmem:s19+$0x80];
	_ =	sdelay $0x4  }
0x3a: {  	s16 =	sand.u32 $0x1F0, s14;
	v0 =	vadd.s32 $0x963E, v0  }
0x3b: {  	[tilespmem:s16+$0x4200] =	vst v0  }
0x3c: {  	v0 =	vld [tilespmem:s19+$0x100];
	_ =	sdelay $0x4  }
0x3d: {  	v0 =	vadd.s32 $0x12C7C, v0  }
0x3e: {  	[tilespmem:s16+$0x4400] =	vst v0  }
0x3f: {  	v0 =	vld [tilespmem:s19+$0x180];
	_ =	sdelay $0x4  }
0x40: {  	v0 =	vadd.s32 $0x1C2BA, v0  }
0x41: {  	[tilespmem:s16+$0x4600] =	vst v0  }
0x42: {  	v0 =	vld [tilespmem:s19+$0x200];
	_ =	sdelay $0x4  }
0x43: {  	v0 =	vadd.s32 $0x258F8, v0  }
0x44: {  	[tilespmem:s16+$0x4800] =	vst v0  }
0x45: {  	v0 =	vld [tilespmem:s19+$0x280];
	_ =	sdelay $0x4  }
0x46: {  	v0 =	vadd.s32 $0x2EF36, v0  }
0x47: {  	[tilespmem:s16+$0x4A00] =	vst v0  }
0x48: {  	v0 =	vld [tilespmem:s19+$0x300];
	_ =	sdelay $0x4  }
0x49: {  	s20 =	sor.u32 s15, s14;
	s14 =	smov.u32 s18;
	v0 =	vadd.s32 $0x38574, v0  }
0x4a: {  	s20 =	sor.u32 $0x380, s20;
	[tilespmem:s16+$0x4C00] =	vst v0  }
0x4b: {  	v0 =	vld [tilespmem:s20+$0x0];
	_ =	sdelay $0x4  }
0x4c: {  	v0 =	vadd.s32 $0x41BB2, v0  }
0x4d: {  	[tilespmem:s16+$0x4E00] =	vst v0  }
0x4e: {  	v0 =	vld [tilespmem:s19+$0x1000];
	_ =	sdelay $0x4  }
0x4f: {  	v0 =	vadd.s32 $0x4B1F0, v0  }
0x50: {  	[tilespmem:s16+$0x5000] =	vst v0  }
0x51: {  	v0 =	vld [tilespmem:s19+$0x1080];
	_ =	sdelay $0x4  }
0x52: {  	v0 =	vadd.s32 $0x5482E, v0  }
0x53: {  	[tilespmem:s16+$0x5200] =	vst v0  }
0x54: {  	v0 =	vld [tilespmem:s19+$0x1100];
	_ =	sdelay $0x4  }
0x55: {  	v0 =	vadd.s32 $0x5DE6C, v0  }
0x56: {  	[tilespmem:s16+$0x5400] =	vst v0  }
0x57: {  	v0 =	vld [tilespmem:s19+$0x1180];
	_ =	sdelay $0x4  }
0x58: {  	v0 =	vadd.s32 $0x674AA, v0  }
0x59: {  	[tilespmem:s16+$0x5600] =	vst v0  }
0x5a: {  	v0 =	vld [tilespmem:s19+$0x1200]  }
.Ltmp0:
0x5b: {  	(pc) =	sbr.rel @p0 .LBB2_2-.Ltmp0, $3  }
0x5c: {  	_ =	sdelay $0x1  }
0x5d: {  	s15 =	sadd.s32 $0x80, s15  }
0x5e: {  	s18 =	sadd.s32 $0x10, s18;
	s20 =	sand.u32 $0xC00, s15;
	s19 =	sand.u32 $0x70, s14;
	v0 =	vadd.s32 $0x70AE8, v0  }
0x5f: {  	s18 =	sor.u32 s19, s20;
	[tilespmem:s16+$0x5800] =	vst v0  }
0x60: {  	v0 =	vld [tilespmem:s18+$0x0];
	_ =	sdelay $0x3  }
0x61: {  	s25 =	sadd.s32 $0x10, s17  }
0x62: {  	[tilespmem:s25+$0x0] =	vst v0  }
0x63: {  	v0 =	vld [tilespmem:s18+$0x80];
	_ =	sdelay $0x4  }
0x64: {  	s26 =	sand.u32 $0x1F0, s14;
	v0 =	vadd.s32 $0x963E, v0  }
0x65: {  	[tilespmem:s26+$0x4200] =	vst v0  }
0x66: {  	v0 =	vld [tilespmem:s18+$0x100];
	_ =	sdelay $0x4  }
0x67: {  	v0 =	vadd.s32 $0x12C7C, v0  }
0x68: {  	[tilespmem:s26+$0x4400] =	vst v0  }
0x69: {  	v0 =	vld [tilespmem:s18+$0x180];
	_ =	sdelay $0x4  }
0x6a: {  	v0 =	vadd.s32 $0x1C2BA, v0  }
0x6b: {  	[tilespmem:s26+$0x4600] =	vst v0  }
0x6c: {  	v0 =	vld [tilespmem:s18+$0x200];
	_ =	sdelay $0x4  }
0x6d: {  	v0 =	vadd.s32 $0x258F8, v0  }
0x6e: {  	[tilespmem:s26+$0x4800] =	vst v0  }
0x6f: {  	v0 =	vld [tilespmem:s18+$0x280];
	_ =	sdelay $0x4  }
0x70: {  	v0 =	vadd.s32 $0x2EF36, v0  }
0x71: {  	[tilespmem:s26+$0x4A00] =	vst v0  }
0x72: {  	v0 =	vld [tilespmem:s18+$0x300];
	_ =	sdelay $0x4  }
0x73: {  	s28 =	sor.u32 s15, s14;
	v0 =	vadd.s32 $0x38574, v0  }
0x74: {  	s14 =	sor.u32 $0x380, s28;
	[tilespmem:s26+$0x4C00] =	vst v0  }
0x75: {  	v0 =	vld [tilespmem:s14+$0x0];
	_ =	sdelay $0x4  }
0x76: {  	v0 =	vadd.s32 $0x41BB2, v0  }
0x77: {  	[tilespmem:s26+$0x4E00] =	vst v0  }
0x78: {  	v0 =	vld [tilespmem:s18+$0x1000];
	_ =	sdelay $0x4  }
0x79: {  	v0 =	vadd.s32 $0x4B1F0, v0  }
0x7a: {  	[tilespmem:s26+$0x5000] =	vst v0  }
0x7b: {  	v0 =	vld [tilespmem:s18+$0x1080];
	_ =	sdelay $0x4  }
0x7c: {  	v0 =	vadd.s32 $0x5482E, v0  }
0x7d: {  	[tilespmem:s26+$0x5200] =	vst v0  }
0x7e: {  	v0 =	vld [tilespmem:s18+$0x1100];
	_ =	sdelay $0x4  }
0x7f: {  	v0 =	vadd.s32 $0x5DE6C, v0  }
0x80: {  	[tilespmem:s26+$0x5400] =	vst v0  }
0x81: {  	v0 =	vld [tilespmem:s18+$0x1180];
	_ =	sdelay $0x4  }
0x82: {  	v0 =	vadd.s32 $0x674AA, v0  }
0x83: {  	[tilespmem:s26+$0x5600] =	vst v0  }
0x84: {  	v0 =	vld [tilespmem:s18+$0x1200];
	_ =	sdelay $0x3  }
0x85: {  	s29 =	simm.s32 $0x0  }
0x86: {  	s30 =	sand.u32 $0x70, s29;
	s31 =	sand.u32 $0xC00, s29;
	v0 =	vadd.s32 $0x70AE8, v0  }
0x87: {  	s15 =	sor.u32 s30, s31;
	[tilespmem:s26+$0x5800] =	vst v0  }
0x88: {  	[hbm4b:s4+s29] =	stream.linear.scatter [tilespmem:s10], [sflag:$0x1], $0x1A00, $0x38;
	[tilespmem:$0x7400] =	vst v63  }
0x89: {  	v0 =	vld [tilespmem:s15+$0x1280];
	_ =	sdelay $0x4  }
0x8a: {  	s14 =	sand.u32 $0x1F0, s29;
	v0 =	vadd.s32 $0x7A126, v0  }
0x8b: {  	[tilespmem:s14+$0x5A00] =	vst v0  }
0x8c: {  	v0 =	vld [tilespmem:s15+$0x1300];
	_ =	sdelay $0x4  }
0x8d: {  	v0 =	vadd.s32 $0x83764, v0  }
0x8e: {  	[tilespmem:s14+$0x5C00] =	vst v0  }
0x8f: {  	v0 =	vld [tilespmem:s15+$0x1380];
	_ =	sdelay $0x4  }
0x90: {  	v0 =	vadd.s32 $0x8CDA2, v0  }
0x91: {  	[tilespmem:s14+$0x5E00] =	vst v0  }
0x92: {  	v0 =	vld [tilespmem:s15+$0x2000];
	_ =	sdelay $0x4  }
0x93: {  	v0 =	vadd.s32 $0x963E0, v0  }
0x94: {  	[tilespmem:s14+$0x6000] =	vst v0  }
0x95: {  	v0 =	vld [tilespmem:s15+$0x2080];
	_ =	sdelay $0x4  }
0x96: {  	v0 =	vadd.s32 $0x9FA1E, v0  }
0x97: {  	[tilespmem:s14+$0x6200] =	vst v0  }
0x98: {  	v0 =	vld [tilespmem:s15+$0x2100];
	_ =	sdelay $0x4  }
0x99: {  	v0 =	vadd.s32 $0xA905C, v0  }
0x9a: {  	[tilespmem:s14+$0x6400] =	vst v0  }
0x9b: {  	v0 =	vld [tilespmem:s15+$0x2180];
	_ =	sdelay $0x4  }
0x9c: {  	v0 =	vadd.s32 $0xB269A, v0  }
0x9d: {  	[tilespmem:s14+$0x6600] =	vst v0  }
0x9e: {  	v0 =	vld [tilespmem:s15+$0x2200];
	_ =	sdelay $0x4  }
0x9f: {  	v0 =	vadd.s32 $0xBBCD8, v0  }
0xa0: {  	[tilespmem:s14+$0x6800] =	vst v0  }
0xa1: {  	v0 =	vld [tilespmem:s15+$0x2280];
	_ =	sdelay $0x4  }
0xa2: {  	v0 =	vadd.s32 $0xC5316, v0  }
0xa3: {  	[tilespmem:s14+$0x6A00] =	vst v0  }
0xa4: {  	v0 =	vld [tilespmem:s15+$0x2300];
	_ =	sdelay $0x4  }
0xa5: {  	v0 =	vadd.s32 $0xCE954, v0  }
0xa6: {  	[tilespmem:s14+$0x6C00] =	vst v0  }
0xa7: {  	v0 =	vld [tilespmem:s15+$0x2380];
	_ =	sdelay $0x4  }
0xa8: {  	v0 =	vadd.s32 $0xD7F92, v0  }
0xa9: {  	[tilespmem:s14+$0x6E00] =	vst v0  }
0xaa: {  	v0 =	vld [tilespmem:s15+$0x3000];
	_ =	sdelay $0x4  }
0xab: {  	v0 =	vadd.s32 $0xE15D0, v0  }
0xac: {  	[tilespmem:s14+$0x7000] =	vst v0  }
0xad: {  	v0 =	vld [tilespmem:s15+$0x3080];
	_ =	sdelay $0x3  }
0xae: {  	s16 =	simm.s32 $0x80;
	s15 =	simm.s32 $0x10  }
0xaf: {  	s17 =	simm.s32 $0x20;
	s19 =	sand.u32 $0xC00, s16;
	s18 =	sand.u32 $0x70, s15;
	v0 =	vadd.s32 $0xEAC0E, v0  }
.LBB2_4:
0xb0: {  	p0 =	sne.s32 s17, $0x1F0;
	s18 =	sor.u32 s18, s19;
	[tilespmem:s14+$0x7200] =	vst v0  }
0xb1: {  	v0 =	vld [tilespmem:s18+$0x1280];
	_ =	sdelay $0x4  }
0xb2: {  	s14 =	sand.u32 $0x1F0, s15;
	s15 =	smov.u32 s17;
	v0 =	vadd.s32 $0x7A126, v0  }
0xb3: {  	[tilespmem:s14+$0x5A00] =	vst v0  }
0xb4: {  	v0 =	vld [tilespmem:s18+$0x1300];
	_ =	sdelay $0x4  }
0xb5: {  	v0 =	vadd.s32 $0x83764, v0  }
0xb6: {  	[tilespmem:s14+$0x5C00] =	vst v0  }
0xb7: {  	v0 =	vld [tilespmem:s18+$0x1380];
	_ =	sdelay $0x4  }
0xb8: {  	v0 =	vadd.s32 $0x8CDA2, v0  }
0xb9: {  	[tilespmem:s14+$0x5E00] =	vst v0  }
0xba: {  	v0 =	vld [tilespmem:s18+$0x2000];
	_ =	sdelay $0x4  }
0xbb: {  	v0 =	vadd.s32 $0x963E0, v0  }
0xbc: {  	[tilespmem:s14+$0x6000] =	vst v0  }
0xbd: {  	v0 =	vld [tilespmem:s18+$0x2080];
	_ =	sdelay $0x4  }
0xbe: {  	v0 =	vadd.s32 $0x9FA1E, v0  }
0xbf: {  	[tilespmem:s14+$0x6200] =	vst v0  }
0xc0: {  	v0 =	vld [tilespmem:s18+$0x2100];
	_ =	sdelay $0x4  }
0xc1: {  	v0 =	vadd.s32 $0xA905C, v0  }
0xc2: {  	[tilespmem:s14+$0x6400] =	vst v0  }
0xc3: {  	v0 =	vld [tilespmem:s18+$0x2180];
	_ =	sdelay $0x4  }
0xc4: {  	v0 =	vadd.s32 $0xB269A, v0  }
0xc5: {  	[tilespmem:s14+$0x6600] =	vst v0  }
0xc6: {  	v0 =	vld [tilespmem:s18+$0x2200];
	_ =	sdelay $0x4  }
0xc7: {  	v0 =	vadd.s32 $0xBBCD8, v0  }
0xc8: {  	[tilespmem:s14+$0x6800] =	vst v0  }
0xc9: {  	v0 =	vld [tilespmem:s18+$0x2280];
	_ =	sdelay $0x4  }
0xca: {  	v0 =	vadd.s32 $0xC5316, v0  }
0xcb: {  	[tilespmem:s14+$0x6A00] =	vst v0  }
0xcc: {  	v0 =	vld [tilespmem:s18+$0x2300];
	_ =	sdelay $0x4  }
0xcd: {  	v0 =	vadd.s32 $0xCE954, v0  }
0xce: {  	[tilespmem:s14+$0x6C00] =	vst v0  }
0xcf: {  	v0 =	vld [tilespmem:s18+$0x2380];
	_ =	sdelay $0x4  }
0xd0: {  	v0 =	vadd.s32 $0xD7F92, v0  }
0xd1: {  	[tilespmem:s14+$0x6E00] =	vst v0  }
0xd2: {  	v0 =	vld [tilespmem:s18+$0x3000];
	_ =	sdelay $0x4  }
0xd3: {  	v0 =	vadd.s32 $0xE15D0, v0  }
0xd4: {  	[tilespmem:s14+$0x7000] =	vst v0  }
0xd5: {  	v0 =	vld [tilespmem:s18+$0x3080]  }
.Ltmp1:
0xd6: {  	(pc) =	sbr.rel @p0 .LBB2_4-.Ltmp1, $3  }
0xd7: {  	_ =	sdelay $0x1  }
0xd8: {  	s16 =	sadd.s32 $0x80, s16  }
0xd9: {  	s17 =	sadd.s32 $0x10, s17;
	s19 =	sand.u32 $0xC00, s16;
	s18 =	sand.u32 $0x70, s15;
	v0 =	vadd.s32 $0xEAC0E, v0  }
0xda: {  	s16 =	sor.u32 s18, s19;
	[tilespmem:s14+$0x7200] =	vst v0  }
0xdb: {  	v0 =	vld [tilespmem:s16+$0x1280];
	_ =	sdelay $0x4  }
0xdc: {  	s31 =	sand.u32 $0x1F0, s15;
	v0 =	vadd.s32 $0x7A126, v0  }
0xdd: {  	[tilespmem:s31+$0x5A00] =	vst v0  }
0xde: {  	v0 =	vld [tilespmem:s16+$0x1300];
	_ =	sdelay $0x4  }
0xdf: {  	v0 =	vadd.s32 $0x83764, v0  }
0xe0: {  	[tilespmem:s31+$0x5C00] =	vst v0  }
0xe1: {  	v0 =	vld [tilespmem:s16+$0x1380];
	_ =	sdelay $0x4  }
0xe2: {  	v0 =	vadd.s32 $0x8CDA2, v0  }
0xe3: {  	[tilespmem:s31+$0x5E00] =	vst v0  }
0xe4: {  	v0 =	vld [tilespmem:s16+$0x2000];
	_ =	sdelay $0x4  }
0xe5: {  	v0 =	vadd.s32 $0x963E0, v0  }
0xe6: {  	[tilespmem:s31+$0x6000] =	vst v0  }
0xe7: {  	v0 =	vld [tilespmem:s16+$0x2080];
	_ =	sdelay $0x4  }
0xe8: {  	v0 =	vadd.s32 $0x9FA1E, v0  }
0xe9: {  	[tilespmem:s31+$0x6200] =	vst v0  }
0xea: {  	v0 =	vld [tilespmem:s16+$0x2100];
	_ =	sdelay $0x4  }
0xeb: {  	v0 =	vadd.s32 $0xA905C, v0  }
0xec: {  	[tilespmem:s31+$0x6400] =	vst v0  }
0xed: {  	v0 =	vld [tilespmem:s16+$0x2180];
	_ =	sdelay $0x4  }
0xee: {  	v0 =	vadd.s32 $0xB269A, v0  }
0xef: {  	[tilespmem:s31+$0x6600] =	vst v0  }
0xf0: {  	v0 =	vld [tilespmem:s16+$0x2200];
	_ =	sdelay $0x4  }
0xf1: {  	v0 =	vadd.s32 $0xBBCD8, v0  }
0xf2: {  	[tilespmem:s31+$0x6800] =	vst v0  }
0xf3: {  	v0 =	vld [tilespmem:s16+$0x2280];
	_ =	sdelay $0x4  }
0xf4: {  	v0 =	vadd.s32 $0xC5316, v0  }
0xf5: {  	[tilespmem:s31+$0x6A00] =	vst v0  }
0xf6: {  	v0 =	vld [tilespmem:s16+$0x2300];
	_ =	sdelay $0x4  }
0xf7: {  	v0 =	vadd.s32 $0xCE954, v0  }
0xf8: {  	[tilespmem:s31+$0x6C00] =	vst v0  }
0xf9: {  	v0 =	vld [tilespmem:s16+$0x2380];
	_ =	sdelay $0x4  }
0xfa: {  	v0 =	vadd.s32 $0xD7F92, v0  }
0xfb: {  	[tilespmem:s31+$0x6E00] =	vst v0  }
0xfc: {  	v0 =	vld [tilespmem:s16+$0x3000];
	_ =	sdelay $0x4  }
0xfd: {  	v0 =	vadd.s32 $0xE15D0, v0  }
0xfe: {  	[tilespmem:s31+$0x7000] =	vst v0  }
0xff: {  	v0 =	vld [tilespmem:s16+$0x3080];
	_ =	sdelay $0x3  }
0x100: {  	s13 =	sadd.s32 $0x1, s13  }
0x101: {  	p0 =	sne.s32 s13, s6;
	v0 =	vadd.s32 $0xEAC0E, v0  }
.Ltmp2:
0x102: {  	[tilespmem:s31+$0x7200] =	vst v0;
	(pc) =	sbr.rel @p0 .LBB2_1-.Ltmp2, $4  }
0x103: {  	[hbm4b:s5+s2] =	stream.linear.scatter [tilespmem:s11], [sflag:$0x1], $0x1A00, $0x38;
	[tilespmem:$0x7400] =	vst v63  }
0x104: {  	_ =	swait.ge [sflag:s12], $0x3400  }
0x105: {  	[sflag:s12] =	ssyncset.done $0x0  }
0x106: {  	[sflag:s12] =	ssyncadd.s32 $0xFFFFCC00  }
0x107: {  	_ =	sfence.sel $0x180000  }
0x108: {  	[bflag:$0x0] =	sbarrier.arrive $0xFFFF  }
0x109: {  	p0 =	sne.s32 s0, $0x0;
	_ =	strace $0x90000047  }
0x10a: {  	s0 =	sadd.s32 @!p0 $0x100000, s1;
	[bflag:$0x2] =	sbarrier.arrive $0xFFFF  }
0x10b: {  	[sflag:s0] =	ssyncadd.tile.s32 @!p0 $0x1;
	_ =	shalt  }
.Lfunc_end2:
_tile_overlayer_lowered:
.L_overlay_start_2:
0x10c: {  	(tag) =	ssettag $0x2  }
0x10d: {  	s0 =	rddreg [dreg:$0x0];
	s2 =	stileid.u32  }
0x10e: {  	s1 =	rddreg [dreg:$0x1];
	p0 =	sne.s32 s2, $0x0  }
0x10f: {  	s3 =	rddreg [dreg:$0x2];
	[bflag:$0x3] =	sbarrier.arrive $0xFFFF;
	s2 =	simm.s32 @!p0 $0x1C02  }
0x110: {  	[timem:s3], [sflag:s2] =	dma.local @!p0 [hbm:s0], s1  }
0x111: {  	s0 =	simm.s32 @!p0 $0x2  }
0x112: {  	_ =	swait.ge @!p0 [sflag:s0], s1  }
0x113: {  	s1 =	ssub.s32 @!p0 $0x0, s1;
	[sflag:s0] =	ssyncset.done @!p0 $0x0  }
0x114: {  	[sflag:s0] =	ssyncadd.s32 @!p0 s1  }
0x115: {  	[bflag:$0x3] =	sbarrier.arrive $0xFFFF  }
0x116: {  	_ =	shalt  }

// kernel: kernel.7.cloned.1.call-start
scs
__scs_entry_jumppad:
0x0: {  	(pc) =	sbr.rel $0x88, $3  }
0x1: {  	(tag) =	ssettag $0x0;
	lr =	simm.s32 $0x1  }
0x2: {  	[smem:$0x3F9E] =	sst lr;
	_ =	strace $0xD0000000  }
0x3: {  	_ = 	snop  }
0x4: {  	_ = 	snop  }
0x5: {  	_ = 	snop  }
0x6: {  	_ = 	snop  }
0x7: {  	_ = 	snop  }
__scs_overlays_trampoline_lowered:
0x8: {  	[smem:$0x3FAD] =	sst s0  }
0x9: {  	[smem:$0x3FAE] =	sst s1  }
0xa: {  	[smem:$0x3FAF] =	sst s2  }
0xb: {  	[smem:$0x3FB0] =	sst s3  }
0xc: {  	[smem:$0x3FB1] =	sst s4  }
0xd: {  	[smem:$0x3FB2] =	sst s5  }
0xe: {  	[smem:$0x3FB3] =	sst s6  }
0xf: {  	[smem:$0x3FB4] =	sst s7  }
0x10: {  	[smem:$0x3FB5] =	sst s8  }
0x11: {  	[smem:$0x3FB6] =	sst s9;
	s0 =	simm.s32 @!p0 $0x0  }
0x12: {  	s1 =	sld [smem:$0x3F9C];
	s0 =	simm.s32 @p0 $0x1  }
0x13: {  	[smem:$0x3FB7] =	sst s0;
	s0 =	simm.s32 @!p1 $0x0  }
0x14: {  	s2 =	sld [smem:$0x3F9B];
	s0 =	simm.s32 @p1 $0x1  }
0x15: {  	[smem:$0x3FB8] =	sst s0;
	s0 =	simm.s32 @!p2 $0x0  }
0x16: {  	s3 =	sld [smem:$0x3FDB];
	s0 =	simm.s32 @p2 $0x1  }
0x17: {  	s4 =	simm.s32 $0x1BF5;
	[smem:$0x3FBA] =	sst s0  }
0x18: {  	s0 =	sld [smem:$0x3F9D];
	_ =	swait.ge [sflag:s4], $0x0  }
0x19: {  	s7 =	sld [smem:$0x3F9E]  }
0x1a: {  	s8 =	sadd.s32 $0xFFFFE003, lr  }
0x1b: {  	s9 =	sadd.s32 $0xFFFFFEF7, lr;
	s5 =	simm.s32 $0xFFFFFFFF;
	p2 =	slt.u32 s8, $0xFFFFF086  }
0x1c: {  	p1 =	slt.u32 s9, $0xF7A;
	s5 =	simm.s32 @!p2 $0x0  }
0x1d: {  	s5 =	simm.s32 @p1 $0x1;
	p0 =	seq.s32 s7, s2  }
0x1e: {  	s7 =	smul.u32 @!p0 $0xF7A, s2;
	p2 =	seq.s32 @!p0 s5, $0x0  }
0x1f: {  	s9 =	smul.u32 $0xF7A, s1;
	s8 =	simm.s32 @!p0 $0x1BF5;
	p2 =	por !p2, p0  }
0x20: {  	[sflag:s8] =	ssyncset.s32 @!p0 $0xFFFFF086;
	s6 =	sadd.s32 @!p0 s3, s7;
	s7 =	simm.s32 @!p0 $0x108  }
0x21: {  	s3 =	sadd.s32 s3, s9;
	s6 =	sadd.s32 @!p0 $0x88, s6;
	s7 =	simm.s32 @p2 $0x1082  }
0x22: {  	[simem:s7], [sflag:s8] =	dma.local @!p0 [hbm:s6], $0xF7A  }
0x23: {  	s9 =	sor.u32 $0xD0000000, s2;
	s6 =	simm.s32 $0x108;
	_ =	swait.ge @!p0 [sflag:s8], $0x0  }
0x24: {  	s3 =	sadd.s32 $0x88, s3;
	s6 =	simm.s32 @!p1 $0x1082;
	[sflag:s4] =	ssyncset.s32 $0xFFFFF086  }
0x25: {  	[simem:s6], [sflag:s4] =	dma.local [hbm:s3], $0xF7A  }
0x26: {  	[smem:$0x3F9E] =	sst s1;
	(tag) =	ssettag s2;
	_ =	strace s9  }
0x27: {  	s1 =	sld [smem:$0x3FAE]  }
0x28: {  	s2 =	sld [smem:$0x3FAF]  }
0x29: {  	s4 =	sld [smem:$0x3FB1]  }
0x2a: {  	p0 =	seq.s32 s5, $0x0;
	s5 =	sld [smem:$0x3FB2]  }
0x2b: {  	s6 =	sld [smem:$0x3FB3]  }
0x2c: {  	s7 =	sld [smem:$0x3FB4]  }
0x2d: {  	s3 =	simm.s32 $0x108;
	s8 =	sld [smem:$0x3FB5]  }
0x2e: {  	s3 =	simm.s32 @!p0 $0x1082;
	s9 =	sld [smem:$0x3FB6]  }
0x2f: {  	lr =	sadd.s32 s0, s3;
	s0 =	sld [smem:$0x3FAD]  }
0x30: {  	s3 =	sld [smem:$0x3FB0]  }
0x31: {  	[smem:$0x3FB9] =	sst s10  }
0x32: {  	s10 =	sld [smem:$0x3FB7];
	_ =	sdelay $0x3  }
0x33: {  	p0 =	seq.s32 s10, $0x1;
	s10 =	sld [smem:$0x3FB9];
	_ =	sdelay $0x3  }
0x34: {  	[smem:$0x3FB9] =	sst s10  }
0x35: {  	s10 =	sld [smem:$0x3FB8];
	_ =	sdelay $0x3  }
0x36: {  	p1 =	seq.s32 s10, $0x1;
	s10 =	sld [smem:$0x3FB9];
	_ =	sdelay $0x3  }
0x37: {  	[smem:$0x3FB9] =	sst s10  }
0x38: {  	s10 =	sld [smem:$0x3FBA]  }
0x39: {  	_ = 	snop;
	(pc) =	sbr.ind lr, $3  }
0x3a: {  	_ = 	snop  }
0x3b: {  	_ = 	snop  }
0x3c: {  	p2 =	seq.s32 s10, $0x1;
	s10 =	sld [smem:$0x3FB9]  }
0x3d: {  	_ =	shalt  }
0x3e: {  	_ =	shalt  }
0x3f: {  	_ =	shalt  }
0x40: {  	_ =	shalt  }
0x41: {  	_ =	shalt  }
0x42: {  	_ =	shalt  }
0x43: {  	_ =	shalt  }
0x44: {  	_ =	shalt  }
0x45: {  	_ =	shalt  }
0x46: {  	_ =	shalt  }
0x47: {  	_ =	shalt  }
0x48: {  	_ =	shalt  }
0x49: {  	_ =	shalt  }
0x4a: {  	_ =	shalt  }
0x4b: {  	_ =	shalt  }
0x4c: {  	_ =	shalt  }
0x4d: {  	_ =	shalt  }
0x4e: {  	_ =	shalt  }
0x4f: {  	_ =	shalt  }
0x50: {  	_ =	shalt  }
0x51: {  	_ =	shalt  }
0x52: {  	_ =	shalt  }
0x53: {  	_ =	shalt  }
0x54: {  	_ =	shalt  }
0x55: {  	_ =	shalt  }
0x56: {  	_ =	shalt  }
0x57: {  	_ =	shalt  }
0x58: {  	_ =	shalt  }
0x59: {  	_ =	shalt  }
0x5a: {  	_ =	shalt  }
0x5b: {  	_ =	shalt  }
0x5c: {  	_ =	shalt  }
0x5d: {  	_ =	shalt  }
0x5e: {  	_ =	shalt  }
0x5f: {  	_ =	shalt  }
0x60: {  	_ =	shalt  }
0x61: {  	_ =	shalt  }
0x62: {  	_ =	shalt  }
0x63: {  	_ =	shalt  }
0x64: {  	_ =	shalt  }
0x65: {  	_ =	shalt  }
0x66: {  	_ =	shalt  }
0x67: {  	_ =	shalt  }
0x68: {  	_ =	shalt  }
0x69: {  	_ =	shalt  }
0x6a: {  	_ =	shalt  }
0x6b: {  	_ =	shalt  }
0x6c: {  	_ =	shalt  }
0x6d: {  	_ =	shalt  }
0x6e: {  	_ =	shalt  }
0x6f: {  	_ =	shalt  }
0x70: {  	_ =	shalt  }
0x71: {  	_ =	shalt  }
0x72: {  	_ =	shalt  }
0x73: {  	_ =	shalt  }
0x74: {  	_ =	shalt  }
0x75: {  	_ =	shalt  }
0x76: {  	_ =	shalt  }
0x77: {  	_ =	shalt  }
0x78: {  	_ =	shalt  }
0x79: {  	_ =	shalt  }
0x7a: {  	_ =	shalt  }
0x7b: {  	_ =	shalt  }
0x7c: {  	_ =	shalt  }
0x7d: {  	_ =	shalt  }
0x7e: {  	_ =	shalt  }
0x7f: {  	_ =	shalt  }
0x80: {  	_ =	shalt  }
0x81: {  	_ =	shalt  }
0x82: {  	_ =	shalt  }
0x83: {  	_ =	shalt  }
0x84: {  	_ =	shalt  }
0x85: {  	_ =	shalt  }
0x86: {  	_ =	shalt  }
0x87: {  	_ =	shalt  }
.Lfunc_end0:
.L_simem_size_0:
called_computation.1_lowered:
.L_overlay_start_0:
0x88: {  	s2 =	sld [smem:$0x3FD9]  }
0x89: {  	s3 =	sld [smem:$0x3FFE];
	_ =	sdelay $0x1  }
0x8a: {  	s1 =	srdreg.scid  }
0x8b: {  	s0 =	sand.u32 $0x1, s1  }
0x8c: {  	s17 =	sshll.u32 s0, $0xA;
	s2 =	sadd.s32 s3, s2  }
0x8d: {  	s2 =	sadd.s32 s2, s17  }
0x8e: {  	[smem:$0x3FC5] =	sst s2  }
0x8f: {  	_ = 	snop  }
0x90: {  	s2 =	sld [smem:$0x3FC7]  }
0x91: {  	s18 =	sld [smem:$0x3FD0];
	(tm) =	ssettm $0x1  }
0x92: {  	s4 =	sld [smem:$0x3FFB];
	_ =	sdelay $0x3  }
0x93: {  	_ =	strace s4  }
0x94: {  	s4 =	sld [smem:$0x3FFC];
	_ =	sdelay $0x3  }
0x95: {  	_ =	strace s4  }
0x96: {  	s4 =	sld [smem:$0x3FFD];
	_ =	sdelay $0x3  }
0x97: {  	_ =	strace s4  }
0x98: {  	_ =	strace $0x8FFFFFFF  }
0x99: {  	s19 =	sld [smem:$0x3FDB];
	_ =	sdelay $0x1  }
0x9a: {  	s5 =	simm.s32 $_scs_section_size  }
0x9b: {  	s6 =	simm.s32 $_size__tile_overlayer_lowered;
	s7 =	simm.s32 $_tile_overlayer_lowered  }
0x9c: {  	s22 =	simm.s32 $0x1BFF;
	s21 =	sshll.u32 s7, $0x1;
	s4 =	sadd.s32 s5, s19  }
0x9d: {  	s8 =	simm.s32 $0x0;
	s20 =	sshll.u32 s6, $0x1;
	s6 =	sadd.s32 s21, s4  }
0x9e: {  	[timem:s8], [sflag:s22] =	dma.local [hbm:s6], s20  }
0x9f: {  	_ =	swait.ge [sflag:s22], s20  }
0xa0: {  	s5 =	ssub.s32 $0x0, s20;
	[sflag:s22] =	ssyncset.done $0x0  }
0xa1: {  	[sflag:s22] =	ssyncadd.s32 s5;
	_ =	sdelay $0x1  }
0xa2: {  	s23 =	simm.s32 $0x1B8B  }
0xa3: {  	_ =	swait.ge [sflag:s23], $0x1  }
0xa4: {  	[sflag:s23] =	ssyncset.done $0x0  }
0xa5: {  	s25 =	simm.s32 $0x1B8E;
	s24 =	sld [smem:$0x3FFE];
	[sflag:s23] =	ssyncadd.s32 $0xFFFFFFFF  }
0xa6: {  	s26 =	simm.s32 $execute0_lowered;
	[smem:$0x3FD2] =	sst s25  }
0xa7: {  	s6 =	sshll.u32 s26, $0x1;
	_ =	strace $0x80000049;
	[dreg:$0x1] =	wrdreg $0xFFFFFFFF  }
0xa8: {  	s28 =	simm.s32 $_size_execute0_lowered;
	s4 =	sadd.s32 s4, s6;
	[dreg:$0x0] =	wrdreg $0x0  }
0xa9: {  	s6 =	sshll.u32 s28, $0x1;
	[dreg:$0x2] =	wrdreg s4  }
0xaa: {  	[dreg:$0x3] =	wrdreg s6  }
0xab: {  	[dreg:$0x4] =	wrdreg $0xC0  }
0xac: {  	_ =	task [dreg:s8], $0x5FFFF  }
0xad: {  	[dreg:$0x1] =	wrdreg $0xFFFFFFFF  }
0xae: {  	[dreg:$0x0] =	wrdreg $0x60  }
0xaf: {  	[dreg:$0x2] =	wrdreg s24  }
0xb0: {  	[dreg:$0x3] =	wrdreg s2  }
0xb1: {  	[dreg:$0x4] =	wrdreg s18  }
0xb2: {  	[dreg:$0x5] =	wrdreg $0x9  }
0xb3: {  	_ =	task.clear_ibuf [dreg:s8], $0x6FFFF;
	_ =	strace $0x90000049  }
0xb4: {  	s29 =	simm.s32 $0x9;
	_ =	strace $0x8000004B  }
0xb5: {  	_ =	swait.ge [sflag:s29], $0x1  }
0xb6: {  	[sflag:s29] =	ssyncadd.s32 $0xFFFFFFFF  }
0xb7: {  	_ =	strace $0x9000004B  }
0xb8: {  	_ =	sfence  }
0xb9: {  	s30 =	sld [smem:$0x0];
	_ =	sdelay $0x2  }
0xba: {  	s31 =	sshll.u32 s1, $0xD;
	s1 =	sshrl.u32 s1, $0x2  }
0xbb: {  	s3 =	sand.u32 $0x4000, s31;
	s1 =	sadd.s32 s1, s30  }
0xbc: {  	s0 =	sor.u32 s3, s0;
	s1 =	sshll.u32 s1, $0x11  }
0xbd: {  	s0 =	sor.u32 s1, s0  }
0xbe: {  	s0 =	sadd.s32 $0x8F2B, s0  }
0xbf: {  	[sflag:s0] =	ssyncadd.remote.s32 $0x1  }
0xc0: {  	_ =	sfence.sel $0xFFFF  }
0xc1: {  	[dreg:$0x0] =	wrdreg $0xFFFFFFFF;
	(pc) =	sbr.abs _section_cstart, $3  }
0xc2: {  	[dreg:$0x1] =	wrdreg $0xFFFFFFFF  }
0xc3: {  	_ =	task.clear_ibuf [dreg:s8], $0x2FFFF;
	_ =	strace $0x9FFFFFFF  }
0xc4: {  	(tm) =	ssettm $0x7FFFFFFF  }
0xc5: {  	_ =	shalt  }
tec
execute0_lowered:
.L_overlay_start_1:
0x0: {  	(tag) =	ssettag $0x1  }
0x1: {  	s4 =	rddreg [dreg:$0x0]  }
0x2: {  	s1 =	srdreg.scid;
	s2 =	rddreg [dreg:$0x1]  }
0x3: {  	s0 =	stileid.u32;
	s6 =	rddreg [dreg:$0x2];
	s3 =	simm.s32 $0x0  }
0x4: {  	s10 =	simm.s32 $0x1A00;
	s11 =	simm.s32 $0x4E00;
	s12 =	simm.s32 $0x1  }
0x5: {  	s13 =	simm.s32 $0x2;
	s14 =	simm.s32 $0x6800;
	s15 =	simm.s32 $0x0  }
0x6: {  	s5 =	sand.u32 $0x1, s1;
	s31 =	sshll.u32 s0, $0x1;
	s1 =	rddreg [dreg:$0x3]  }
0x7: {  	[smem:$0x7FF] =	sst s3;
	s7 =	sor.u32 s5, s31;
	s5 =	ssub.s32 $0x2, s5  }
0x8: {  	s8 =	smul.u32 $0x680, s7;
	s9 =	sshrl.u32 s5, $0x1;
	s7 =	sshll.u32 s7, $0x6  }
0x9: {  	_ =	strace $0x8000004A;
	s9 =	ssub.s32 s5, s9;
	s6 =	sadd.s32 s6, s7  }
0xa: {  	s8 =	sadd.s32 s8, s4;
	s4 =	sadd.s32 $0xDA00, s4;
	s7 =	smax.u32 s9, $0x1  }
0xb: {  	v0 =	vimm.f32 $0.0e+00;
	s9 =	simm.s32 $0x6A00;
	s5 =	sadd.s32 $0xA00, s8;
	s8 =	simm.s32 $0x3  }
.LBB2_1:
0xc: {  	[tilespmem:$0x6A00] =	vst v0  }
0xd: {  	[tilespmem:s3], [sflag:$0x3] =	stream.linear.gather [hbm4b:s5+s3], $0x3400, $0x38;
	[tilespmem:$0x6A80] =	vst v63  }
0xe: {  	_ =	swait.ge [sflag:s8], $0x3400  }
0xf: {  	[sflag:s8] =	ssyncset.done $0x0  }
0x10: {  	[sflag:s8] =	ssyncadd.s32 $0xFFFFCC00  }
0x11: {  	[tilespmem:s9], [sflag:$0x3] =	stream.linear.gather [hbm4b:s2+s3], $0x1, $0x38;
	[tilespmem:$0x6A80] =	vst v63  }
0x12: {  	_ =	swait.ge [sflag:s8], $0x1  }
0x13: {  	[sflag:s8] =	ssyncset.done $0x0  }
0x14: {  	[sflag:s8] =	ssyncadd.s32 $0xFFFFFFFF  }
0x15: {  	v1 =	vld [tilespmem:$0x6A00];
	_ =	sdelay $0x4  }
0x16: {  	(xrf2) =	vadd.scan.msk.f32 $0xffff, v1;
	_ =	sdelay $0x6  }
0x17: {  	s16 =	simm.s32 $0x3400  }
0x18: {  	[tilespmem:s16], [sflag:$0x1] =	stream.indirect.gather [hbm4b:s4+s10], $0x1, s3, s10, $0xb8;
	[tilespmem:$0x6A80] =	vst v63  }
0x19: {  	_ = 	snop  }
0x1a: {  	[tilespmem:s11], [sflag:$0x2] =	stream.indirect.gather [hbm4b:s4+s10], $0x1, s10, s10, $0xb8;
	v1, _, _ =	vpop (xrf2);
	[tilespmem:$0x6A80] =	vst v63  }
0x1b: {  	_ =	swait.ge [sflag:s12], $0x1A00  }
0x1c: {  	[sflag:s12] =	ssyncset.done $0x0  }
0x1d: {  	[sflag:s12] =	ssyncadd.s32 $0xFFFFE600  }
0x1e: {  	v2 =	vld [tilespmem:s16+$0x0]  }
0x1f: {  	s31 =	sand.u32 $0x1F0, s3  }
0x20: {  	v3 =	vld [tilespmem:s31+$0x3600]  }
0x21: {  	v1 =	vbroadcast v1, $0xF  }
0x22: {  	v4 =	vld [tilespmem:s31+$0x3800]  }
0x23: {  	v2 =	vadd.f32 v2, v1  }
0x24: {  	v5 =	vld [tilespmem:s31+$0x3A00]  }
0x25: {  	v2 =	vadd.f32 v3, v2  }
0x26: {  	v3 =	vld [tilespmem:s31+$0x3C00]  }
0x27: {  	v2 =	vadd.f32 v4, v2  }
0x28: {  	v58 =	vld [tilespmem:s31+$0x3E00]  }
0x29: {  	v2 =	vadd.f32 v5, v2  }
0x2a: {  	v59 =	vld [tilespmem:s31+$0x4000]  }
0x2b: {  	v2 =	vadd.f32 v3, v2  }
0x2c: {  	v3 =	vld [tilespmem:s31+$0x4200]  }
0x2d: {  	v2 =	vadd.f32 v58, v2  }
0x2e: {  	v60 =	vld [tilespmem:s31+$0x4400]  }
0x2f: {  	v2 =	vadd.f32 v59, v2  }
0x30: {  	v61 =	vld [tilespmem:s31+$0x4600]  }
0x31: {  	v2 =	vadd.f32 v3, v2  }
0x32: {  	v3 =	vld [tilespmem:s31+$0x4800]  }
0x33: {  	v2 =	vadd.f32 v60, v2  }
0x34: {  	v62 =	vld [tilespmem:s31+$0x4A00]  }
0x35: {  	v2 =	vadd.f32 v61, v2  }
0x36: {  	v63 =	vld [tilespmem:s31+$0x4C00]  }
0x37: {  	v2 =	vadd.f32 v3, v2;
	_ =	sdelay $0x1  }
0x38: {  	v2 =	vadd.f32 v62, v2;
	_ =	sdelay $0x1  }
0x39: {  	v2 =	vadd.f32 v63, v2;
	_ =	sdelay $0x1  }
0x3a: {  	s17 =	simm.s32 $0x3410;
	[tilespmem:s14+$0x0] =	vst v2  }
0x3b: {  	s18 =	simm.s32 $0x10;
	s19 =	simm.s32 $0x20;
	s16 =	simm.s32 $0x6800;
	v2 =	vld [tilespmem:s17+$0x0]  }
.LBB2_2:
0x3c: {  	p0 =	sne.s32 s19, $0x1F0;
	s20 =	sand.u32 $0x1F0, s18;
	s18 =	smov.u32 s19  }
0x3d: {  	v3 =	vld [tilespmem:s20+$0x3600];
	_ =	sdelay $0x1  }
0x3e: {  	v4 =	vld [tilespmem:s20+$0x3800]  }
0x3f: {  	v2 =	vadd.f32 v2, v1  }
0x40: {  	v5 =	vld [tilespmem:s20+$0x3A00]  }
0x41: {  	v2 =	vadd.f32 v3, v2  }
0x42: {  	v3 =	vld [tilespmem:s20+$0x3C00]  }
0x43: {  	v2 =	vadd.f32 v4, v2  }
0x44: {  	v4 =	vld [tilespmem:s20+$0x3E00]  }
0x45: {  	v2 =	vadd.f32 v5, v2  }
0x46: {  	v5 =	vld [tilespmem:s20+$0x4000]  }
0x47: {  	v2 =	vadd.f32 v3, v2  }
0x48: {  	v3 =	vld [tilespmem:s20+$0x4200]  }
0x49: {  	v2 =	vadd.f32 v4, v2  }
0x4a: {  	v4 =	vld [tilespmem:s20+$0x4400]  }
0x4b: {  	v2 =	vadd.f32 v5, v2  }
0x4c: {  	v5 =	vld [tilespmem:s20+$0x4600]  }
0x4d: {  	v2 =	vadd.f32 v3, v2  }
0x4e: {  	v3 =	vld [tilespmem:s20+$0x4800]  }
0x4f: {  	v2 =	vadd.f32 v4, v2  }
0x50: {  	v4 =	vld [tilespmem:s20+$0x4A00]  }
0x51: {  	v2 =	vadd.f32 v5, v2  }
0x52: {  	v5 =	vld [tilespmem:s20+$0x4C00]  }
0x53: {  	v2 =	vadd.f32 v3, v2;
	_ =	sdelay $0x1  }
0x54: {  	v2 =	vadd.f32 v4, v2  }
.Ltmp0:
0x55: {  	(pc) =	sbr.rel @p0 .LBB2_2-.Ltmp0, $4  }
0x56: {  	v2 =	vadd.f32 v5, v2  }
0x57: {  	s16 =	sadd.s32 $0x10, s16  }
0x58: {  	s17 =	sadd.s32 $0x10, s17;
	[tilespmem:s16+$0x0] =	vst v2  }
0x59: {  	s19 =	sadd.s32 $0x10, s19;
	v2 =	vld [tilespmem:s17+$0x0]  }
0x5a: {  	s17 =	sand.u32 $0x1F0, s18  }
0x5b: {  	v3 =	vld [tilespmem:s17+$0x3600];
	_ =	sdelay $0x1  }
0x5c: {  	v4 =	vld [tilespmem:s17+$0x3800]  }
0x5d: {  	v1 =	vadd.f32 v2, v1  }
0x5e: {  	v2 =	vld [tilespmem:s17+$0x3A00]  }
0x5f: {  	v1 =	vadd.f32 v3, v1  }
0x60: {  	v3 =	vld [tilespmem:s17+$0x3C00]  }
0x61: {  	v1 =	vadd.f32 v4, v1  }
0x62: {  	v61 =	vld [tilespmem:s17+$0x3E00]  }
0x63: {  	v1 =	vadd.f32 v2, v1  }
0x64: {  	v2 =	vld [tilespmem:s17+$0x4000]  }
0x65: {  	v1 =	vadd.f32 v3, v1  }
0x66: {  	v3 =	vld [tilespmem:s17+$0x4200]  }
0x67: {  	v1 =	vadd.f32 v61, v1  }
0x68: {  	v62 =	vld [tilespmem:s17+$0x4400]  }
0x69: {  	v1 =	vadd.f32 v2, v1  }
0x6a: {  	v2 =	vld [tilespmem:s17+$0x4600]  }
0x6b: {  	v1 =	vadd.f32 v3, v1  }
0x6c: {  	v3 =	vld [tilespmem:s17+$0x4800]  }
0x6d: {  	v1 =	vadd.f32 v62, v1  }
0x6e: {  	v63 =	vld [tilespmem:s17+$0x4A00]  }
0x6f: {  	v1 =	vadd.f32 v2, v1  }
0x70: {  	v2 =	vld [tilespmem:s17+$0x4C00]  }
0x71: {  	v1 =	vadd.f32 v3, v1;
	_ =	sdelay $0x1  }
0x72: {  	v1 =	vadd.f32 v63, v1;
	_ =	sdelay $0x1  }
0x73: {  	v1 =	vadd.f32 v2, v1  }
0x74: {  	s16 =	sadd.s32 $0x10, s16  }
0x75: {  	[tilespmem:s16+$0x0] =	vst v1  }
0x76: {  	_ =	swait.ge [sflag:s13], $0x1A00  }
0x77: {  	s31 =	simm.s32 $0x0;
	[sflag:s13] =	ssyncset.done $0x0  }
0x78: {  	s18 =	sand.u32 $0x1F0, s31;
	[sflag:s13] =	ssyncadd.s32 $0xFFFFE600  }
0x79: {  	s17 =	simm.s32 $0x10;
	s16 =	simm.s32 $0x6800;
	v1 =	vld [tilespmem:s18+$0x4E00]  }
.LBB2_4:
0x7a: {  	p0 =	sne.s32 s17, $0x1F0;
	v2 =	vld [tilespmem:s16+$0x0];
	_ =	sdelay $0x1  }
0x7b: {  	v3 =	vld [tilespmem:s18+$0x5000];
	_ =	sdelay $0x1  }
0x7c: {  	v4 =	vld [tilespmem:s18+$0x5200]  }
0x7d: {  	v1 =	vadd.f32 v1, v2  }
0x7e: {  	v2 =	vld [tilespmem:s18+$0x5400]  }
0x7f: {  	v1 =	vadd.f32 v3, v1  }
0x80: {  	v3 =	vld [tilespmem:s18+$0x5600]  }
0x81: {  	v1 =	vadd.f32 v4, v1  }
0x82: {  	v4 =	vld [tilespmem:s18+$0x5800]  }
0x83: {  	v1 =	vadd.f32 v2, v1  }
0x84: {  	v2 =	vld [tilespmem:s18+$0x5A00]  }
0x85: {  	v1 =	vadd.f32 v3, v1  }
0x86: {  	v3 =	vld [tilespmem:s18+$0x5C00]  }
0x87: {  	v1 =	vadd.f32 v4, v1  }
0x88: {  	v4 =	vld [tilespmem:s18+$0x5E00]  }
0x89: {  	v1 =	vadd.f32 v2, v1  }
0x8a: {  	v2 =	vld [tilespmem:s18+$0x6000]  }
0x8b: {  	v1 =	vadd.f32 v3, v1  }
0x8c: {  	v3 =	vld [tilespmem:s18+$0x6200]  }
0x8d: {  	v1 =	vadd.f32 v4, v1  }
0x8e: {  	v4 =	vld [tilespmem:s18+$0x6400]  }
0x8f: {  	v1 =	vadd.f32 v2, v1  }
0x90: {  	v2 =	vld [tilespmem:s18+$0x6600]  }
0x91: {  	v1 =	vadd.f32 v3, v1;
	_ =	sdelay $0x1  }
0x92: {  	v1 =	vadd.f32 v4, v1;
	_ =	sdelay $0x1  }
0x93: {  	v1 =	vadd.f32 v2, v1;
	_ =	sdelay $0x1  }
0x94: {  	v1 =	vsub.f32 $0.0e+00, v1;
	_ =	sdelay $0x1  }
0x95: {  	v1 =	vmul.f32 $1.442695020e+00, v1;
	_ =	sdelay $0x1  }
0x96: {  	(erf) = vpow2.f32 v1;
	_ =	sdelay $0x8  }
0x97: {  	v1 =	vpop (erf)  }
0x98: {  	v1 =	vadd.f32 $1.000000000e+00, v1;
	_ =	sdelay $0x1  }
0x99: {  	(erf) = vrcp.f32 v1;
	_ =	sdelay $0x6  }
.Ltmp1:
0x9a: {  	(pc) =	sbr.rel @p0 .LBB2_4-.Ltmp1, $4  }
0x9b: {  	_ = 	snop  }
0x9c: {  	v1 =	vpop (erf)  }
0x9d: {  	s18 =	sand.u32 $0x1F0, s17;
	[tilespmem:s16+$0x0] =	vst v1  }
0x9e: {  	s17 =	sadd.s32 $0x10, s17;
	s16 =	sadd.s32 $0x10, s16;
	v1 =	vld [tilespmem:s18+$0x4E00]  }
0x9f: {  	v2 =	vld [tilespmem:s16+$0x0];
	_ =	sdelay $0x1  }
0xa0: {  	v3 =	vld [tilespmem:s18+$0x5000];
	_ =	sdelay $0x1  }
0xa1: {  	v4 =	vld [tilespmem:s18+$0x5200]  }
0xa2: {  	v1 =	vadd.f32 v1, v2  }
0xa3: {  	v2 =	vld [tilespmem:s18+$0x5400]  }
0xa4: {  	v1 =	vadd.f32 v3, v1  }
0xa5: {  	v3 =	vld [tilespmem:s18+$0x5600]  }
0xa6: {  	v1 =	vadd.f32 v4, v1  }
0xa7: {  	v61 =	vld [tilespmem:s18+$0x5800]  }
0xa8: {  	v1 =	vadd.f32 v2, v1  }
0xa9: {  	v2 =	vld [tilespmem:s18+$0x5A00]  }
0xaa: {  	v1 =	vadd.f32 v3, v1  }
0xab: {  	v3 =	vld [tilespmem:s18+$0x5C00]  }
0xac: {  	v1 =	vadd.f32 v61, v1  }
0xad: {  	v62 =	vld [tilespmem:s18+$0x5E00]  }
0xae: {  	v1 =	vadd.f32 v2, v1  }
0xaf: {  	v2 =	vld [tilespmem:s18+$0x6000]  }
0xb0: {  	v1 =	vadd.f32 v3, v1  }
0xb1: {  	v3 =	vld [tilespmem:s18+$0x6200]  }
0xb2: {  	v1 =	vadd.f32 v62, v1  }
0xb3: {  	v63 =	vld [tilespmem:s18+$0x6400]  }
0xb4: {  	v1 =	vadd.f32 v2, v1  }
0xb5: {  	v2 =	vld [tilespmem:s18+$0x6600]  }
0xb6: {  	v1 =	vadd.f32 v3, v1;
	_ =	sdelay $0x1  }
0xb7: {  	v1 =	vadd.f32 v63, v1;
	_ =	sdelay $0x1  }
0xb8: {  	v1 =	vadd.f32 v2, v1;
	_ =	sdelay $0x1  }
0xb9: {  	v1 =	vsub.f32 $0.0e+00, v1;
	_ =	sdelay $0x1  }
0xba: {  	v1 =	vmul.f32 $1.442695020e+00, v1;
	_ =	sdelay $0x1  }
0xbb: {  	(erf) = vpow2.f32 v1;
	_ =	sdelay $0x8  }
0xbc: {  	v1 =	vpop (erf)  }
0xbd: {  	v1 =	vadd.f32 $1.000000000e+00, v1;
	_ =	sdelay $0x1  }
0xbe: {  	(erf) = vrcp.f32 v1;
	_ =	sdelay $0x7  }
0xbf: {  	s15 =	sadd.s32 $0x1, s15  }
0xc0: {  	p0 =	sne.s32 s15, s7;
	v1 =	vpop (erf)  }
.Ltmp2:
0xc1: {  	[tilespmem:s16+$0x0] =	vst v1;
	(pc) =	sbr.rel @p0 .LBB2_1-.Ltmp2, $4  }
0xc2: {  	[hbm4b:s6+s3] =	stream.linear.scatter [tilespmem:s14], [sflag:$0x3], $0x200, $0x38;
	[tilespmem:$0x6A80] =	vst v63  }
0xc3: {  	_ =	swait.ge [sflag:s8], $0x200  }
0xc4: {  	[sflag:s8] =	ssyncset.done $0x0  }
0xc5: {  	[sflag:s8] =	ssyncadd.s32 $0xFFFFFE00  }
0xc6: {  	_ =	sfence.sel $0x180000  }
0xc7: {  	[bflag:$0x0] =	sbarrier.arrive $0xFFFF  }
0xc8: {  	p0 =	sne.s32 s0, $0x0;
	_ =	strace $0x9000004A  }
0xc9: {  	s0 =	sadd.s32 @!p0 $0x100000, s1;
	[bflag:$0x2] =	sbarrier.arrive $0xFFFF  }
0xca: {  	[sflag:s0] =	ssyncadd.tile.s32 @!p0 $0x1;
	_ =	shalt  }
.Lfunc_end2:
_tile_overlayer_lowered:
.L_overlay_start_2:
0xcb: {  	(tag) =	ssettag $0x2  }
0xcc: {  	s0 =	rddreg [dreg:$0x0];
	s2 =	stileid.u32  }
0xcd: {  	s1 =	rddreg [dreg:$0x1];
	p0 =	sne.s32 s2, $0x0  }
0xce: {  	s3 =	rddreg [dreg:$0x2];
	[bflag:$0x3] =	sbarrier.arrive $0xFFFF;
	s2 =	simm.s32 @!p0 $0x1C03  }
0xcf: {  	[timem:s3], [sflag:s2] =	dma.local @!p0 [hbm:s0], s1  }
0xd0: {  	s0 =	simm.s32 @!p0 $0x3  }
0xd1: {  	_ =	swait.ge @!p0 [sflag:s0], s1  }
0xd2: {  	s1 =	ssub.s32 @!p0 $0x0, s1;
	[sflag:s0] =	ssyncset.done @!p0 $0x0  }
0xd3: {  	[sflag:s0] =	ssyncadd.s32 @!p0 s1  }
0xd4: {  	[bflag:$0x3] =	sbarrier.arrive $0xFFFF  }
0xd5: {  	_ =	shalt  }

</sc_bundles>
